<compile_context>
chip_gen: v7x
topology: tpu7x:2x2x1
jax: 0.10.2.dev20260603
libtpu: 0.0.44.dev20260713+nightly
codegen_flags: <defaults>
</compile_context>

<pallas_src>
import functools

import jax
import jax.numpy as jnp
from jax import lax
from jax.experimental import pallas as pl
from jax.experimental.pallas import tpu as pltpu
from jax.experimental.pallas import tpu_sc as plsc

_CLS = 6
_VEC = 3
_S = 7
_K = 10
_NW = 32
_F32 = jnp.float32



def _pick_chunk(rows_per_w, d):
    budget = (128 * 1024) // (d * 4)
    for c in (128, 64, 32, 16, 8):
        if c <= budget and c <= rows_per_w and rows_per_w % c == 0:
            return c
    return rows_per_w


@functools.partial(jax.jit, static_argnums=(2, 3, 4))
def _sc_gather_call(table, idx3, nch, c, d):
    n = _NW * nch * c
    mesh = plsc.VectorSubcoreMesh(core_axis_name="c", subcore_axis_name="s")

    @functools.partial(
        pl.kernel,
        mesh=mesh,
        out_type=jax.ShapeDtypeStruct((n, d), _F32),
        scratch_types=[
            pltpu.VMEM((nch, c), jnp.int32),
            pltpu.VMEM((c, d), _F32),
            pltpu.VMEM((c, d), _F32),
            pltpu.SemaphoreType.DMA,
            pltpu.SemaphoreType.DMA,
        ],
    )
    def k(table_hbm, idx_hbm, out_hbm, idx_v, buf0, buf1, sem0, sem1):
        wid = lax.axis_index("s") * 2 + lax.axis_index("c")
        base = wid * (nch * c)
        pltpu.sync_copy(idx_hbm.at[wid], idx_v)
        bufs = (buf0, buf1)
        sems = (sem0, sem1)
        cps = {0: pltpu.async_copy(table_hbm.at[idx_v.at[0]], bufs[0], sems[0])}
        for j in range(nch):
            if j + 1 < nch:
                cps[j + 1] = pltpu.async_copy(
                    table_hbm.at[idx_v.at[j + 1]], bufs[(j + 1) % 2],
                    sems[(j + 1) % 2])
            cps[j].wait()
            pltpu.sync_copy(bufs[j % 2], out_hbm.at[pl.ds(base + j * c, c)])

    return k(table, idx3)


def _gather_rows(table, idx):
    (n,) = idx.shape
    d = table.shape[1]
    rows_per_w = n // _NW
    c = _pick_chunk(rows_per_w, d)
    nch = rows_per_w // c
    idx3 = idx.reshape(_NW, nch, c)
    return _sc_gather_call(table, idx3, nch, c, d)



def _knn(q, pt, k, drop_first, nearest_form):
    b, vq, _ = q.shape
    vs = pt.shape[2]
    bq = min(256, vq)
    iters = k + (1 if drop_first else 0)

    def body(q_ref, pt_ref, o_ref):
        qb = q_ref[0]
        ptb = pt_ref[0]
        inner = jnp.dot(qb, ptb, preferred_element_type=_F32)
        quad_s = jnp.sum(ptb * ptb, axis=0, keepdims=True)
        quad_q = jnp.sum(qb * qb, axis=1, keepdims=True)
        if nearest_form:
            dneg = -((quad_s + quad_q) - 2.0 * inner)
        else:
            dneg = -((-2.0 * inner + quad_s) + quad_q)
        iota = lax.broadcasted_iota(jnp.int32, dneg.shape, 1)
        cols = []
        for j in range(iters):
            m = jnp.max(dneg, axis=1, keepdims=True)
            mask = dneg == m
            if not (drop_first and j == 0):
                cols.append(jnp.min(jnp.where(mask, iota, vs), axis=1,
                                    keepdims=True))
            if j + 1 < iters:
                dneg = jnp.where(mask, -jnp.inf, dneg)
        o_ref[0] = jnp.concatenate(cols, axis=1)

    return pl.pallas_call(
        body,
        grid=(b, vq // bq),
        in_specs=[
            pl.BlockSpec((1, bq, 3), lambda bi, i: (bi, i, 0)),
            pl.BlockSpec((1, 3, vs), lambda bi, i: (bi, 0, 0)),
        ],
        out_specs=pl.BlockSpec((1, bq, k), lambda bi, i: (bi, i, 0)),
        out_shape=jax.ShapeDtypeStruct((b, vq, k), jnp.int32),
    )(q, pt)



def _normalize_dirs(dir_ref):
    dirs_b = dir_ref[...]
    nrm = jnp.sqrt(jnp.sum(dirs_b * dirs_b, axis=0, keepdims=True))
    return dirs_b / jnp.maximum(nrm, 1e-12)


def _nd_from_planes(px, cx):
    dv = px - cx
    dn = jnp.sqrt(jnp.sum(dv * dv, axis=1, keepdims=True))
    return dv / jnp.maximum(dn, 1e-12)


def _conv_surface(planes_xyz, vertc, dirs, cout):
    m = vertc.shape[0]
    bv = min(256, m)

    def body(px_ref, vc_ref, dir_ref, o_ref, nd_ref):
        sd = _normalize_dirs(dir_ref)
        cx = vc_ref[:, :3]
        acc = jnp.full((bv, _S * cout), -jnp.inf, _F32)
        nds = []
        for n in range(_K):
            nd = _nd_from_planes(px_ref[n, :, :3], cx)
            nds.append(nd)
            th = jnp.maximum(jnp.dot(nd, sd, preferred_element_type=_F32),
                             0.0)
            acc = jnp.maximum(acc, th)
        red = acc[:, :cout]
        for s in range(1, _S):
            red = red + acc[:, s * cout:(s + 1) * cout]
        o_ref[...] = jnp.maximum(red, 0.0)
        nd_ref[...] = jnp.concatenate(nds, axis=1)

    return pl.pallas_call(
        body,
        grid=(m // bv,),
        in_specs=[
            pl.BlockSpec((_K, bv, 128), lambda i: (0, i, 0)),
            pl.BlockSpec((bv, 128), lambda i: (i, 0)),
            pl.BlockSpec(dirs.shape, lambda i: (0, 0)),
        ],
        out_specs=[
            pl.BlockSpec((bv, cout), lambda i: (i, 0)),
            pl.BlockSpec((bv, 3 * _K), lambda i: (i, 0)),
        ],
        out_shape=[
            jax.ShapeDtypeStruct((m, cout), _F32),
            jax.ShapeDtypeStruct((m, 3 * _K), _F32),
        ],
    )(planes_xyz, vertc, dirs)


def _conv_layer_xyz(fm, planes_comb, vertc, w, b2, dirs, cout, emit_nd):
    m, cin = fm.shape
    bv = min(256, m)
    dcomb = 128 + cin
    _BF = jnp.bfloat16

    def body(fm_ref, pc_ref, vc_ref, w_ref, b_ref, dir_ref, o_ref, *nd_ref):
        sd = _normalize_dirs(dir_ref)
        wc = w_ref[:, :cout]
        ws = w_ref[:, cout:]
        bc = b_ref[:, :cout]
        bs = b_ref[:, cout:]
        center = jnp.dot(fm_ref[...], wc, preferred_element_type=_F32) + bc
        cx = vc_ref[:, :3]
        acc = jnp.full((bv, _S * cout), -jnp.inf, _F32)
        nds = []
        for n in range(_K):
            nd = _nd_from_planes(pc_ref[n, :, :3], cx)
            nds.append(nd)
            th = jnp.maximum(jnp.dot(nd, sd, preferred_element_type=_F32),
                             0.0)
            sup = jnp.dot(pc_ref[n, :, 128:], ws,
                          preferred_element_type=_F32) + bs
            acc = jnp.maximum(acc, th * sup)
        red = acc[:, :cout]
        for s in range(1, _S):
            red = red + acc[:, s * cout:(s + 1) * cout]
        o_ref[...] = center + red
        if emit_nd:
            nd_ref[0][...] = jnp.concatenate(nds, axis=1)

    out_specs = [pl.BlockSpec((bv, cout), lambda i: (i, 0))]
    out_shape = [jax.ShapeDtypeStruct((m, cout), _F32)]
    if emit_nd:
        out_specs.append(pl.BlockSpec((bv, 3 * _K), lambda i: (i, 0)))
        out_shape.append(jax.ShapeDtypeStruct((m, 3 * _K), _F32))

    res = pl.pallas_call(
        body,
        grid=(m // bv,),
        in_specs=[
            pl.BlockSpec((bv, cin), lambda i: (i, 0)),
            pl.BlockSpec((_K, bv, dcomb), lambda i: (0, i, 0)),
            pl.BlockSpec((bv, 128), lambda i: (i, 0)),
            pl.BlockSpec(w.shape, lambda i: (0, 0)),
            pl.BlockSpec(b2.shape, lambda i: (0, 0)),
            pl.BlockSpec(dirs.shape, lambda i: (0, 0)),
        ],
        out_specs=out_specs,
        out_shape=out_shape,
    )(fm, planes_comb, vertc, w, b2, dirs)
    return res if emit_nd else res[0]


def _conv_layer_nd(fm, planes_fm, nd, w, b2, dirs, cout):
    m, cin = fm.shape
    bv = min(256, m)

    def body(fm_ref, pf_ref, nd_ref, w_ref, b_ref, dir_ref, o_ref):
        sd = _normalize_dirs(dir_ref)
        wc = w_ref[:, :cout]
        ws = w_ref[:, cout:]
        bc = b_ref[:, :cout]
        bs = b_ref[:, cout:]
        center = jnp.dot(fm_ref[...], wc, preferred_element_type=_F32) + bc
        acc = jnp.full((bv, _S * cout), -jnp.inf, _F32)
        for n in range(_K):
            ndj = nd_ref[:, 3 * n:3 * n + 3]
            th = jnp.maximum(jnp.dot(ndj, sd, preferred_element_type=_F32),
                             0.0)
            sup = jnp.dot(pf_ref[n], ws, preferred_element_type=_F32) + bs
            acc = jnp.maximum(acc, th * sup)
        red = acc[:, :cout]
        for s in range(1, _S):
            red = red + acc[:, s * cout:(s + 1) * cout]
        o_ref[...] = center + red

    return pl.pallas_call(
        body,
        grid=(m // bv,),
        in_specs=[
            pl.BlockSpec((bv, cin), lambda i: (i, 0)),
            pl.BlockSpec((_K, bv, cin), lambda i: (0, i, 0)),
            pl.BlockSpec((bv, 3 * _K), lambda i: (i, 0)),
            pl.BlockSpec(w.shape, lambda i: (0, 0)),
            pl.BlockSpec(b2.shape, lambda i: (0, 0)),
            pl.BlockSpec(dirs.shape, lambda i: (0, 0)),
        ],
        out_specs=pl.BlockSpec((bv, cout), lambda i: (i, 0)),
        out_shape=jax.ShapeDtypeStruct((m, cout), _F32),
    )(fm, planes_fm, nd, w, b2, dirs)



def _bn_relu(x, g, b):
    m, c = x.shape

    def body(x_ref, g_ref, b_ref, o_ref):
        xb = x_ref[...]
        mean = jnp.sum(xb, axis=0, keepdims=True) / m
        d = xb - mean
        var = jnp.sum(d * d, axis=0, keepdims=True) / m
        y = g_ref[...] * d / jnp.sqrt(var + 1e-5) + b_ref[...]
        o_ref[...] = jnp.maximum(y, 0.0)

    return pl.pallas_call(
        body,
        grid=(1,),
        in_specs=[
            pl.BlockSpec((m, c), lambda i: (0, 0)),
            pl.BlockSpec((1, c), lambda i: (0, 0)),
            pl.BlockSpec((1, c), lambda i: (0, 0)),
        ],
        out_specs=pl.BlockSpec((m, c), lambda i: (0, 0)),
        out_shape=jax.ShapeDtypeStruct((m, c), _F32),
    )(x, g.reshape(1, c), b.reshape(1, c))


def _pool_max(planes):
    p, n, c = planes.shape
    bv = min(256, n)

    def body(p_ref, o_ref):
        acc = p_ref[0]
        for j in range(1, p):
            acc = jnp.maximum(acc, p_ref[j])
        o_ref[...] = acc

    return pl.pallas_call(
        body,
        grid=(n // bv,),
        in_specs=[pl.BlockSpec((p, bv, c), lambda i: (0, i, 0))],
        out_specs=pl.BlockSpec((bv, c), lambda i: (i, 0)),
        out_shape=jax.ShapeDtypeStruct((n, c), _F32),
    )(planes)


def _global_max(x, b):
    m, c = x.shape
    vpb = m // b

    def body(x_ref, o_ref):
        rows = []
        for i in range(b):
            rows.append(jnp.max(x_ref[i * vpb:(i + 1) * vpb, :], axis=0,
                                keepdims=True))
        o_ref[...] = jnp.concatenate(rows, axis=0)

    return pl.pallas_call(
        body,
        grid=(1,),
        in_specs=[pl.BlockSpec((m, c), lambda i: (0, 0))],
        out_specs=pl.BlockSpec((b, c), lambda i: (0, 0)),
        out_shape=jax.ShapeDtypeStruct((b, c), _F32),
    )(x)



def _mlp(pieces, fglob, oh, w1t, b1, w2t, b2, w3t, b3):
    m = pieces[0].shape[0]
    bb = fglob.shape[0]
    bpb = (m // bb)
    cin = w1t.shape[0]
    h = w1t.shape[1]
    co = w3t.shape[1]
    bv = min(256, m)
    nblk = bpb // bv
    np_ = len(pieces)
    cf = sum(p.shape[1] for p in pieces) + oh.shape[1]
    _BF = jnp.bfloat16

    def body(*refs):
        piece_refs = refs[:np_]
        (fg_ref, oh_ref, w1_ref, b1_ref, w2_ref, b2_ref, w3_ref, b3_ref,
         o_ref, f_ref) = refs[np_:]
        parts = [p[...] for p in piece_refs]
        ohb = jnp.broadcast_to(oh_ref[0], (bv, oh_ref.shape[2]))
        fgb = jnp.broadcast_to(fg_ref[0], (bv, fg_ref.shape[2]))
        f_ref[...] = jnp.concatenate(parts + [ohb], axis=1)
        x = jnp.concatenate(parts + [fgb, ohb], axis=1).astype(_BF)
        x = jnp.dot(x, w1_ref[...].astype(_BF), preferred_element_type=_F32)
        x = jnp.maximum(x + b1_ref[...], 0.0).astype(_BF)
        x = jnp.dot(x, w2_ref[...].astype(_BF), preferred_element_type=_F32)
        x = jnp.maximum(x + b2_ref[...], 0.0).astype(_BF)
        x = jnp.dot(x, w3_ref[...].astype(_BF),
                    preferred_element_type=_F32) + b3_ref[...]
        o_ref[...] = x

    in_specs = [pl.BlockSpec((bv, p.shape[1]), lambda i: (i, 0))
                for p in pieces]
    in_specs += [
        pl.BlockSpec((1, 1, fglob.shape[1]),
                     lambda i: (lax.div(i, jnp.int32(nblk)), 0, 0)),
        pl.BlockSpec((1, 1, oh.shape[1]),
                     lambda i: (lax.div(i, jnp.int32(nblk)), 0, 0)),
        pl.BlockSpec((cin, h), lambda i: (0, 0)),
        pl.BlockSpec((1, h), lambda i: (0, 0)),
        pl.BlockSpec((h, h), lambda i: (0, 0)),
        pl.BlockSpec((1, h), lambda i: (0, 0)),
        pl.BlockSpec((h, co), lambda i: (0, 0)),
        pl.BlockSpec((1, co), lambda i: (0, 0)),
    ]
    return pl.pallas_call(
        body,
        grid=(m // bv,),
        in_specs=in_specs,
        out_specs=[
            pl.BlockSpec((bv, co), lambda i: (i, 0)),
            pl.BlockSpec((bv, cf), lambda i: (i, 0)),
        ],
        out_shape=[
            jax.ShapeDtypeStruct((m, co), _F32),
            jax.ShapeDtypeStruct((m, cf), _F32),
        ],
    )(*pieces, fglob[:, None, :], oh[:, None, :], w1t, b1.reshape(1, h),
      w2t, b2.reshape(1, h), w3t, b3.reshape(1, co))



def _plane_idx(ni, v_src):
    b = ni.shape[0]
    offs = (jnp.arange(b, dtype=ni.dtype) * v_src)[:, None, None]
    return (ni + offs).transpose(2, 0, 1).reshape(-1)


def _pad_to(x, d):
    m, c = x.shape
    return jnp.concatenate([x, jnp.zeros((m, d - c), _F32)], axis=1)


def kernel(vertices, onehot, dir0, w1, b1, dir1, w2, b2, dir2, w3, b3, dir3,
           w4, b4, dir4, g1, be1, g2, be2, g3, be3, wc1, bc1, wc2, bc2,
           wc3, bc3):
    b, v, _ = vertices.shape
    m = b * v
    vert128 = _pad_to(vertices.reshape(m, 3), 128)
    pt0 = vertices.transpose(0, 2, 1)

    ni0 = _knn(vertices, pt0, _K, True, False)
    pi0 = _plane_idx(ni0, v)
    xyz0 = _gather_rows(vert128, pi0).reshape(_K, m, 128)
    fm0, nd0 = _conv_surface(xyz0, vert128, dir0, 128)
    pf0 = _gather_rows(fm0, pi0).reshape(_K, m, 128)
    fm1 = _bn_relu(
        _conv_layer_nd(fm0, pf0, nd0, w1, b1.reshape(1, -1), dir1, 128),
        g1, be1)

    v1n = v // 4
    m1 = b * v1n
    perm1 = jax.random.permutation(jax.random.key(1), v)[:v1n]
    sel1 = (perm1[None, :] + (jnp.arange(b) * v)[:, None]).reshape(-1)
    vert1_128 = _gather_rows(vert128, sel1)
    v1 = vert1_128[:, :3].reshape(b, v1n, 3)
    pk1 = _knn(v1, pt0, 4, True, False)
    pooled1 = _gather_rows(fm1, _plane_idx(pk1, v)).reshape(4, m1, 128)
    fp1 = _pool_max(pooled1)

    pt1 = v1.transpose(0, 2, 1)
    ni1 = _knn(v1, pt1, _K, True, False)
    pi1 = _plane_idx(ni1, v1n)
    comb1 = _gather_rows(jnp.concatenate([vert1_128, fp1], axis=1),
                         pi1).reshape(_K, m1, 256)
    fm2pre, nd1 = _conv_layer_xyz(fp1, comb1, vert1_128, w2,
                                  b2.reshape(1, -1), dir2, 256, True)
    fm2 = _bn_relu(fm2pre, g2, be2)
    pf2 = _gather_rows(fm2, pi1).reshape(_K, m1, 256)
    fm3 = _bn_relu(
        _conv_layer_nd(fm2, pf2, nd1, w3, b3.reshape(1, -1), dir3, 256),
        g3, be3)

    v2n = v1n // 4
    m2 = b * v2n
    perm2 = jax.random.permutation(jax.random.key(2), v1n)[:v2n]
    sel2 = (perm2[None, :] + (jnp.arange(b) * v1n)[:, None]).reshape(-1)
    vert2_128 = _gather_rows(vert1_128, sel2)
    v2 = vert2_128[:, :3].reshape(b, v2n, 3)
    pk2 = _knn(v2, pt1, 4, True, False)
    pooled2 = _gather_rows(fm3, _plane_idx(pk2, v1n)).reshape(4, m2, 256)
    fp2 = _pool_max(pooled2)

    pt2 = v2.transpose(0, 2, 1)
    ni2 = _knn(v2, pt2, _K, True, False)
    comb2 = _gather_rows(jnp.concatenate([vert2_128, fp2], axis=1),
                         _plane_idx(ni2, v2n)).reshape(_K, m2, 384)
    fm4 = _conv_layer_xyz(fp2, comb2, vert2_128, w4, b4.reshape(1, -1),
                          dir4, 512, False)
    fglob = _global_max(fm4, b)

    n1 = _knn(vertices, pt1, 1, False, True).reshape(b, v)
    n2 = _knn(vertices, pt2, 1, False, True).reshape(b, v)
    i1 = (n1 + (jnp.arange(b) * v1n)[:, None]).reshape(-1)
    i2 = (n2 + (jnp.arange(b) * v2n)[:, None]).reshape(-1)
    tab_up = jnp.concatenate(
        [jnp.concatenate([fm2, fm3], axis=1), fm4], axis=0)
    up = _gather_rows(tab_up, jnp.concatenate([i1, i2 + m1]))
    fm23u = up[:m]
    fm4u = up[m:]

    pred, feat = _mlp([fm0, fm1, fm23u, fm4u], fglob, onehot,
                      wc1.T, bc1, wc2.T, bc2, wc3.T, bc3)
    pred = pred.reshape(b, v, -1)
    seg = pred[:, :, :_CLS]
    vecs = pred[:, :, _CLS:_CLS + _VEC * 3]
    return seg, vecs, feat.reshape(b, v, -1)

# --- scband reference (transcript-rebuilt; emitter-appended) ---
"""Pipeline reference for scband-gcn3-d-seg-r-4818953306460 (READ-ONLY COPY).

The authoritative reference and input builder live on the scoring server;
editing this copy changes nothing except your own understanding.
"""

import jax, jax.numpy as jnp
import numpy as np

CLASS_NUM = 6
VEC_NUM = 3
SUPPORT_NUM = 7
NEIGHBOR_NUM = 10
CAT_NUM = 16


def _normalize(x, axis):
    n = jnp.linalg.norm(x, axis=axis, keepdims=True)
    return x / jnp.maximum(n, 1e-12)


def get_neighbor_index(vertices, neighbor_num):
    inner = jnp.einsum('bvd,bwd->bvw', vertices, vertices)
    quad = jnp.sum(vertices ** 2, axis=2)
    distance = -2.0 * inner + quad[:, None, :] + quad[:, :, None]
    _, idx = jax.lax.top_k(-distance, neighbor_num + 1)
    return idx[:, :, 1:]


def get_nearest_index(target, source):
    inner = jnp.einsum('bvd,bwd->bvw', target, source)
    s2 = jnp.sum(source ** 2, axis=2)
    t2 = jnp.sum(target ** 2, axis=2)
    d = s2[:, None, :] + t2[:, :, None] - 2.0 * inner
    _, idx = jax.lax.top_k(-d, 1)
    return idx


def indexing_neighbor(tensor, index):
    id0 = jnp.arange(tensor.shape[0])[:, None, None]
    return tensor[id0, index]


def get_neighbor_direction_norm(vertices, neighbor_index):
    neighbors = indexing_neighbor(vertices, neighbor_index)
    direction = neighbors - vertices[:, :, None, :]
    return _normalize(direction, axis=-1)


def conv_surface(neighbor_index, vertices, directions, support_num, kernel_num):
    bs, v, n = neighbor_index.shape
    nd = get_neighbor_direction_norm(vertices, neighbor_index)
    sd = _normalize(directions, axis=0)
    theta = jax.nn.relu(jnp.einsum('bvnd,dk->bvnk', nd, sd))
    theta = theta.reshape(bs, v, n, support_num, kernel_num)
    return jnp.sum(jnp.max(theta, axis=2), axis=2)


def conv_layer(neighbor_index, vertices, feature_map, weights, bias, directions, support_num, out_channel):
    bs, v, n = neighbor_index.shape
    nd = get_neighbor_direction_norm(vertices, neighbor_index)
    sd = _normalize(directions, axis=0)
    theta = jax.nn.relu(jnp.einsum('bvnd,dk->bvnk', nd, sd))
    feature_out = jnp.einsum('bvi,ik->bvk', feature_map, weights) + bias
    feature_center = feature_out[:, :, :out_channel]
    feature_support = indexing_neighbor(feature_out[:, :, out_channel:], neighbor_index)
    act = (theta * feature_support).reshape(bs, v, n, support_num, out_channel)
    return feature_center + jnp.sum(jnp.max(act, axis=2), axis=2)


def pool_layer(vertices, feature_map, pooling_rate, neighbor_num, seed):
    bs, v, _ = vertices.shape
    ni = get_neighbor_index(vertices, neighbor_num)
    pooled = jnp.max(indexing_neighbor(feature_map, ni), axis=2)
    pool_num = int(v / pooling_rate)
    perm = jax.random.permutation(jax.random.key(seed), v)[:pool_num]
    return vertices[:, perm, :], pooled[:, perm, :]


def batchnorm(x, gamma, beta):
    mean = jnp.mean(x, axis=(0, 1))
    var = jnp.var(x, axis=(0, 1))
    return gamma * (x - mean) / jnp.sqrt(var + 1e-5) + beta


def _forward(vertices, onehot, dir0, w1, b1, dir1, w2, b2, dir2, w3, b3, dir3, w4, b4, dir4, g1, be1, g2, be2, g3, be3, wc1, bc1, wc2, bc2, wc3, bc3):
    bs, v, _ = vertices.shape
    ni = get_neighbor_index(vertices, NEIGHBOR_NUM)
    fm_0 = jax.nn.relu(conv_surface(ni, vertices, dir0, SUPPORT_NUM, 128))
    fm_1 = jax.nn.relu(batchnorm(conv_layer(ni, vertices, fm_0, w1, b1, dir1, SUPPORT_NUM, 128), g1, be1))
    v1, fp1 = pool_layer(vertices, fm_1, 4, 4, 1)
    ni = get_neighbor_index(v1, min(NEIGHBOR_NUM, v1.shape[1] // 8))
    fm_2 = jax.nn.relu(batchnorm(conv_layer(ni, v1, fp1, w2, b2, dir2, SUPPORT_NUM, 256), g2, be2))
    fm_3 = jax.nn.relu(batchnorm(conv_layer(ni, v1, fm_2, w3, b3, dir3, SUPPORT_NUM, 256), g3, be3))
    v2, fp2 = pool_layer(v1, fm_3, 4, 4, 2)
    ni = get_neighbor_index(v2, min(NEIGHBOR_NUM, v2.shape[1] // 8))
    fm_4 = conv_layer(ni, v2, fp2, w4, b4, dir4, SUPPORT_NUM, 512)
    f_global = jnp.max(fm_4, axis=1)
    n1 = get_nearest_index(vertices, v1)
    n2 = get_nearest_index(vertices, v2)
    fm_2u = indexing_neighbor(fm_2, n1)[:, :, 0, :]
    fm_3u = indexing_neighbor(fm_3, n1)[:, :, 0, :]
    fm_4u = indexing_neighbor(fm_4, n2)[:, :, 0, :]
    fg = jnp.broadcast_to(f_global[:, None, :], (bs, v, f_global.shape[-1]))
    oh = jnp.broadcast_to(onehot[:, None, :], (bs, v, onehot.shape[-1]))
    feat = jnp.concatenate([fm_0, fm_1, fm_2u, fm_3u, fm_4u, oh], axis=2)
    fuse = jnp.concatenate([fm_0, fm_1, fm_2u, fm_3u, fm_4u, fg, oh], axis=2)
    x = jax.nn.relu(fuse @ wc1.T + bc1)
    x = jax.nn.relu(x @ wc2.T + bc2)
    pred = x @ wc3.T + bc3
    seg = pred[:, :, :CLASS_NUM]
    vecs = pred[:, :, CLASS_NUM:CLASS_NUM + VEC_NUM * 3]
    return seg, vecs, feat


def setup_inputs():
    ks = jax.random.split(jax.random.key(0), 32)
    def p(i, shape, scale=0.05):
        return jax.random.normal(ks[i], shape, dtype=jnp.float32) * scale
    s = SUPPORT_NUM
    inp = {}
    inp['vertices'] = jax.random.normal(ks[0], (2, 2048, 3), dtype=jnp.float32)
    inp['onehot'] = jax.random.uniform(ks[1], (2, CAT_NUM), dtype=jnp.float32)
    inp['dir0'] = p(2, (3, s * 128))
    inp['w1'] = p(3, (128, (s + 1) * 128)); inp['b1'] = p(4, ((s + 1) * 128,)); inp['dir1'] = p(5, (3, s * 128))
    inp['w2'] = p(6, (128, (s + 1) * 256)); inp['b2'] = p(7, ((s + 1) * 256,)); inp['dir2'] = p(8, (3, s * 256))
    inp['w3'] = p(9, (256, (s + 1) * 256)); inp['b3'] = p(10, ((s + 1) * 256,)); inp['dir3'] = p(11, (3, s * 256))
    inp['w4'] = p(12, (256, (s + 1) * 512)); inp['b4'] = p(13, ((s + 1) * 512,)); inp['dir4'] = p(14, (3, s * 512))
    inp['g1'] = jnp.ones((128,), jnp.float32); inp['be1'] = jnp.zeros((128,), jnp.float32)
    inp['g2'] = jnp.ones((256,), jnp.float32); inp['be2'] = jnp.zeros((256,), jnp.float32)
    inp['g3'] = jnp.ones((256,), jnp.float32); inp['be3'] = jnp.zeros((256,), jnp.float32)
    dim_fuse = 128 + 128 + 256 + 256 + 512 + 512 + CAT_NUM
    inp['wc1'] = p(15, (512, dim_fuse)); inp['bc1'] = p(16, (512,))
    inp['wc2'] = p(17, (512, 512)); inp['bc2'] = p(18, (512,))
    inp['wc3'] = p(19, (CLASS_NUM + VEC_NUM * 3, 512)); inp['bc3'] = p(20, (CLASS_NUM + VEC_NUM * 3,))
    return inp


def reference(vertices, onehot, dir0, w1, b1, dir1, w2, b2, dir2, w3, b3, dir3, w4, b4, dir4, g1, be1, g2, be2, g3, be3, wc1, bc1, wc2, bc2, wc3, bc3):
    return _forward(vertices, onehot, dir0, w1, b1, dir1, w2, b2, dir2, w3, b3, dir3, w4, b4, dir4, g1, be1, g2, be2, g3, be3, wc1, bc1, wc2, bc2, wc3, bc3)

if __name__ == "__main__":
    import jax
    _d = setup_inputs()
    print(jax.jit(kernel)(*tuple(_d.values())))

</pallas_src>

<mosaic_0001>
#map = affine_map<(d0, d1) -> (0, 0)>
#map1 = affine_map<(d0, d1) -> (0, 0, 0)>
module attributes {stable_mosaic.version = 14 : i64} {
  func.func @k(%arg0: i32, %arg1: i32, %arg2: memref<4096x128xf32, #tpu.memory_space<hbm>>, %arg3: memref<32x10x128xi32, #tpu.memory_space<hbm>>, %arg4: memref<40960x128xf32, #tpu.memory_space<hbm>>, %arg5: memref<10x128xi32, #tpu.memory_space<vmem>>, %arg6: memref<128x128xf32, #tpu.memory_space<vmem>>, %arg7: memref<128x128xf32, #tpu.memory_space<vmem>>, %arg8: memref<!tpu.dma_semaphore, #tpu.memory_space<semaphore_mem>>, %arg9: memref<!tpu.dma_semaphore, #tpu.memory_space<semaphore_mem>>) attributes {dimension_semantics = [#tpu.dimension_semantics<core_parallel>, #tpu.dimension_semantics<subcore_parallel>], iteration_bounds = array<i64: 2, 16>, scalar_prefetch = 0 : i64, scratch_operands = 5 : i64, tpu.core_type = #tpu.core_type<sc_vector_subcore>, window_params = [{transform_indices = #map}, {transform_indices = #map1}, {transform_indices = #map}]} {
    %mul3A = arith.constant 2 : i32
    %mul3A_0 = arith.muli %arg1, %mul3A : i32
    %add3A = arith.addi %mul3A_0, %arg0 : i32
    %mul3A_1 = arith.constant 1280 : i32
    %mul3A_2 = arith.muli %add3A, %mul3A_1 : i32
    "tpu.region"() ({
      %run_scoped3A = tpu.sem_alloc : memref<!tpu.dma_semaphore, #tpu.memory_space<semaphore_mem>>
      %dma_start3A_161 = arith.constant 0 : i32
      %dma_start3A_162 = arith.constant 0 : i32
      %dma_start3A_163 = tpu.memref_slice %arg3[%add3A, %dma_start3A_161, %dma_start3A_162] : memref<32x10x128xi32, #tpu.memory_space<hbm>> -> memref<1x10x128xi32, #tpu.memory_space<hbm>>
      %dma_start3A_164 = tpu.memref_squeeze %dma_start3A_163 : memref<1x10x128xi32, #tpu.memory_space<hbm>> -> memref<10x128xi32, #tpu.memory_space<hbm>>
      %dma_start3A_165 = arith.constant 0 : i32
      %dma_start3A_166 = arith.constant 0 : i32
      %dma_start3A_167 = tpu.memref_slice %arg3[%add3A, %dma_start3A_165, %dma_start3A_166] : memref<32x10x128xi32, #tpu.memory_space<hbm>> -> memref<1x10x128xi32, #tpu.memory_space<hbm>>
      %dma_start3A_168 = tpu.memref_squeeze %dma_start3A_167 : memref<1x10x128xi32, #tpu.memory_space<hbm>> -> memref<10x128xi32, #tpu.memory_space<hbm>>
      tpu.enqueue_dma source(%dma_start3A_168 : memref<10x128xi32, #tpu.memory_space<hbm>>) target(%arg5 : memref<10x128xi32, #tpu.memory_space<vmem>>) target_semaphore(%run_scoped3A : memref<!tpu.dma_semaphore, #tpu.memory_space<semaphore_mem>>)
      %dma_wait3A_169 = arith.constant 0 : i32
      %dma_wait3A_170 = arith.constant 0 : i32
      %dma_wait3A_171 = tpu.memref_slice %arg3[%add3A, %dma_wait3A_169, %dma_wait3A_170] : memref<32x10x128xi32, #tpu.memory_space<hbm>> -> memref<1x10x128xi32, #tpu.memory_space<hbm>>
      %dma_wait3A_172 = tpu.memref_squeeze %dma_wait3A_171 : memref<1x10x128xi32, #tpu.memory_space<hbm>> -> memref<10x128xi32, #tpu.memory_space<hbm>>
      %dma_wait3A_173 = arith.constant 0 : i32
      %dma_wait3A_174 = arith.constant 0 : i32
      %dma_wait3A_175 = tpu.memref_slice %arg3[%add3A, %dma_wait3A_173, %dma_wait3A_174] : memref<32x10x128xi32, #tpu.memory_space<hbm>> -> memref<1x10x128xi32, #tpu.memory_space<hbm>>
      %dma_wait3A_176 = tpu.memref_squeeze %dma_wait3A_175 : memref<1x10x128xi32, #tpu.memory_space<hbm>> -> memref<10x128xi32, #tpu.memory_space<hbm>>
      tpu.wait_dma2 semaphore(%run_scoped3A : memref<!tpu.dma_semaphore, #tpu.memory_space<semaphore_mem>>) src(%dma_wait3A_176 : memref<10x128xi32, #tpu.memory_space<hbm>>) dst(%arg5 : memref<10x128xi32, #tpu.memory_space<vmem>>)
      tpu.yield
    }) : () -> ()
    %dma_start3A = arith.constant 0 : i32
    %dma_start3A_3 = arith.constant 0 : i32
    %dma_start3A_4 = tpu.memref_slice %arg5[%dma_start3A, %dma_start3A_3] : memref<10x128xi32, #tpu.memory_space<vmem>> -> memref<1x128xi32, #tpu.memory_space<vmem>>
    %dma_start3A_5 = tpu.memref_squeeze %dma_start3A_4 : memref<1x128xi32, #tpu.memory_space<vmem>> -> memref<128xi32, #tpu.memory_space<vmem>>
    %dma_start3A_6 = arith.constant 0 : i32
    %dma_start3A_7 = arith.constant 0 : i32
    %dma_start3A_8 = tpu.memref_slice %arg2[%dma_start3A_6, %dma_start3A_7] : memref<4096x128xf32, #tpu.memory_space<hbm>> -> memref<4096x128xf32, #tpu.memory_space<hbm>>
    tpu.enqueue_indirect_dma source(%dma_start3A_8 : memref<4096x128xf32, #tpu.memory_space<hbm>>) target(%arg6 : memref<128x128xf32, #tpu.memory_space<vmem>>) offsets(%dma_start3A_5 : memref<128xi32, #tpu.memory_space<vmem>>) semaphore(%arg8 : memref<!tpu.dma_semaphore, #tpu.memory_space<semaphore_mem>>)
    %dma_start3A_9 = arith.constant 1 : i32
    %dma_start3A_10 = arith.constant 0 : i32
    %dma_start3A_11 = tpu.memref_slice %arg5[%dma_start3A_9, %dma_start3A_10] : memref<10x128xi32, #tpu.memory_space<vmem>> -> memref<1x128xi32, #tpu.memory_space<vmem>>
    %dma_start3A_12 = tpu.memref_squeeze %dma_start3A_11 : memref<1x128xi32, #tpu.memory_space<vmem>> -> memref<128xi32, #tpu.memory_space<vmem>>
    %dma_start3A_13 = arith.constant 0 : i32
    %dma_start3A_14 = arith.constant 0 : i32
    %dma_start3A_15 = tpu.memref_slice %arg2[%dma_start3A_13, %dma_start3A_14] : memref<4096x128xf32, #tpu.memory_space<hbm>> -> memref<4096x128xf32, #tpu.memory_space<hbm>>
    tpu.enqueue_indirect_dma source(%dma_start3A_15 : memref<4096x128xf32, #tpu.memory_space<hbm>>) target(%arg7 : memref<128x128xf32, #tpu.memory_space<vmem>>) offsets(%dma_start3A_12 : memref<128xi32, #tpu.memory_space<vmem>>) semaphore(%arg9 : memref<!tpu.dma_semaphore, #tpu.memory_space<semaphore_mem>>)
    %dma_wait3A = arith.constant 0 : i32
    %dma_wait3A_16 = arith.constant 0 : i32
    %dma_wait3A_17 = tpu.memref_slice %arg5[%dma_wait3A, %dma_wait3A_16] : memref<10x128xi32, #tpu.memory_space<vmem>> -> memref<1x128xi32, #tpu.memory_space<vmem>>
    %dma_wait3A_18 = tpu.memref_squeeze %dma_wait3A_17 : memref<1x128xi32, #tpu.memory_space<vmem>> -> memref<128xi32, #tpu.memory_space<vmem>>
    %dma_wait3A_19 = arith.constant 0 : i32
    %dma_wait3A_20 = arith.constant 0 : i32
    %dma_wait3A_21 = tpu.memref_slice %arg2[%dma_wait3A_19, %dma_wait3A_20] : memref<4096x128xf32, #tpu.memory_space<hbm>> -> memref<4096x128xf32, #tpu.memory_space<hbm>>
    tpu.wait_indirect_dma semaphore(%arg8 : memref<!tpu.dma_semaphore, #tpu.memory_space<semaphore_mem>>) src(%dma_wait3A_21 : memref<4096x128xf32, #tpu.memory_space<hbm>>) dst(%arg6 : memref<128x128xf32, #tpu.memory_space<vmem>>)
    %add3A_22 = arith.constant 0 : i32
    %add3A_23 = arith.addi %mul3A_2, %add3A_22 : i32
    "tpu.region"() ({
      %run_scoped3A = tpu.sem_alloc : memref<!tpu.dma_semaphore, #tpu.memory_space<semaphore_mem>>
      %dma_start3A_161 = arith.constant 0 : i32
      %dma_start3A_162 = tpu.memref_slice %arg4[%add3A_23, %dma_start3A_161] : memref<40960x128xf32, #tpu.memory_space<hbm>> -> memref<128x128xf32, #tpu.memory_space<hbm>>
      %dma_start3A_163 = arith.constant 0 : i32
      %dma_start3A_164 = tpu.memref_slice %arg4[%add3A_23, %dma_start3A_163] : memref<40960x128xf32, #tpu.memory_space<hbm>> -> memref<128x128xf32, #tpu.memory_space<hbm>>
      tpu.enqueue_dma source(%arg6 : memref<128x128xf32, #tpu.memory_space<vmem>>) target(%dma_start3A_164 : memref<128x128xf32, #tpu.memory_space<hbm>>) target_semaphore(%run_scoped3A : memref<!tpu.dma_semaphore, #tpu.memory_space<semaphore_mem>>)
      %dma_wait3A_165 = arith.constant 0 : i32
      %dma_wait3A_166 = tpu.memref_slice %arg4[%add3A_23, %dma_wait3A_165] : memref<40960x128xf32, #tpu.memory_space<hbm>> -> memref<128x128xf32, #tpu.memory_space<hbm>>
      %dma_wait3A_167 = arith.constant 0 : i32
      %dma_wait3A_168 = tpu.memref_slice %arg4[%add3A_23, %dma_wait3A_167] : memref<40960x128xf32, #tpu.memory_space<hbm>> -> memref<128x128xf32, #tpu.memory_space<hbm>>
      tpu.wait_dma2 semaphore(%run_scoped3A : memref<!tpu.dma_semaphore, #tpu.memory_space<semaphore_mem>>) src(%arg6 : memref<128x128xf32, #tpu.memory_space<vmem>>) dst(%dma_wait3A_168 : memref<128x128xf32, #tpu.memory_space<hbm>>)
      tpu.yield
    }) : () -> ()
    %dma_start3A_24 = arith.constant 2 : i32
    %dma_start3A_25 = arith.constant 0 : i32
    %dma_start3A_26 = tpu.memref_slice %arg5[%dma_start3A_24, %dma_start3A_25] : memref<10x128xi32, #tpu.memory_space<vmem>> -> memref<1x128xi32, #tpu.memory_space<vmem>>
    %dma_start3A_27 = tpu.memref_squeeze %dma_start3A_26 : memref<1x128xi32, #tpu.memory_space<vmem>> -> memref<128xi32, #tpu.memory_space<vmem>>
    %dma_start3A_28 = arith.constant 0 : i32
    %dma_start3A_29 = arith.constant 0 : i32
    %dma_start3A_30 = tpu.memref_slice %arg2[%dma_start3A_28, %dma_start3A_29] : memref<4096x128xf32, #tpu.memory_space<hbm>> -> memref<4096x128xf32, #tpu.memory_space<hbm>>
    tpu.enqueue_indirect_dma source(%dma_start3A_30 : memref<4096x128xf32, #tpu.memory_space<hbm>>) target(%arg6 : memref<128x128xf32, #tpu.memory_space<vmem>>) offsets(%dma_start3A_27 : memref<128xi32, #tpu.memory_space<vmem>>) semaphore(%arg8 : memref<!tpu.dma_semaphore, #tpu.memory_space<semaphore_mem>>)
    %dma_wait3A_31 = arith.constant 1 : i32
    %dma_wait3A_32 = arith.constant 0 : i32
    %dma_wait3A_33 = tpu.memref_slice %arg5[%dma_wait3A_31, %dma_wait3A_32] : memref<10x128xi32, #tpu.memory_space<vmem>> -> memref<1x128xi32, #tpu.memory_space<vmem>>
    %dma_wait3A_34 = tpu.memref_squeeze %dma_wait3A_33 : memref<1x128xi32, #tpu.memory_space<vmem>> -> memref<128xi32, #tpu.memory_space<vmem>>
    %dma_wait3A_35 = arith.constant 0 : i32
    %dma_wait3A_36 = arith.constant 0 : i32
    %dma_wait3A_37 = tpu.memref_slice %arg2[%dma_wait3A_35, %dma_wait3A_36] : memref<4096x128xf32, #tpu.memory_space<hbm>> -> memref<4096x128xf32, #tpu.memory_space<hbm>>
    tpu.wait_indirect_dma semaphore(%arg9 : memref<!tpu.dma_semaphore, #tpu.memory_space<semaphore_mem>>) src(%dma_wait3A_37 : memref<4096x128xf32, #tpu.memory_space<hbm>>) dst(%arg7 : memref<128x128xf32, #tpu.memory_space<vmem>>)
    %add3A_38 = arith.constant 128 : i32
    %add3A_39 = arith.addi %mul3A_2, %add3A_38 : i32
    "tpu.region"() ({
      %run_scoped3A = tpu.sem_alloc : memref<!tpu.dma_semaphore, #tpu.memory_space<semaphore_mem>>
      %dma_start3A_161 = arith.constant 0 : i32
      %dma_start3A_162 = tpu.memref_slice %arg4[%add3A_39, %dma_start3A_161] : memref<40960x128xf32, #tpu.memory_space<hbm>> -> memref<128x128xf32, #tpu.memory_space<hbm>>
      %dma_start3A_163 = arith.constant 0 : i32
      %dma_start3A_164 = tpu.memref_slice %arg4[%add3A_39, %dma_start3A_163] : memref<40960x128xf32, #tpu.memory_space<hbm>> -> memref<128x128xf32, #tpu.memory_space<hbm>>
      tpu.enqueue_dma source(%arg7 : memref<128x128xf32, #tpu.memory_space<vmem>>) target(%dma_start3A_164 : memref<128x128xf32, #tpu.memory_space<hbm>>) target_semaphore(%run_scoped3A : memref<!tpu.dma_semaphore, #tpu.memory_space<semaphore_mem>>)
      %dma_wait3A_165 = arith.constant 0 : i32
      %dma_wait3A_166 = tpu.memref_slice %arg4[%add3A_39, %dma_wait3A_165] : memref<40960x128xf32, #tpu.memory_space<hbm>> -> memref<128x128xf32, #tpu.memory_space<hbm>>
      %dma_wait3A_167 = arith.constant 0 : i32
      %dma_wait3A_168 = tpu.memref_slice %arg4[%add3A_39, %dma_wait3A_167] : memref<40960x128xf32, #tpu.memory_space<hbm>> -> memref<128x128xf32, #tpu.memory_space<hbm>>
      tpu.wait_dma2 semaphore(%run_scoped3A : memref<!tpu.dma_semaphore, #tpu.memory_space<semaphore_mem>>) src(%arg7 : memref<128x128xf32, #tpu.memory_space<vmem>>) dst(%dma_wait3A_168 : memref<128x128xf32, #tpu.memory_space<hbm>>)
      tpu.yield
    }) : () -> ()
    %dma_start3A_40 = arith.constant 3 : i32
    %dma_start3A_41 = arith.constant 0 : i32
    %dma_start3A_42 = tpu.memref_slice %arg5[%dma_start3A_40, %dma_start3A_41] : memref<10x128xi32, #tpu.memory_space<vmem>> -> memref<1x128xi32, #tpu.memory_space<vmem>>
    %dma_start3A_43 = tpu.memref_squeeze %dma_start3A_42 : memref<1x128xi32, #tpu.memory_space<vmem>> -> memref<128xi32, #tpu.memory_space<vmem>>
    %dma_start3A_44 = arith.constant 0 : i32
    %dma_start3A_45 = arith.constant 0 : i32
    %dma_start3A_46 = tpu.memref_slice %arg2[%dma_start3A_44, %dma_start3A_45] : memref<4096x128xf32, #tpu.memory_space<hbm>> -> memref<4096x128xf32, #tpu.memory_space<hbm>>
    tpu.enqueue_indirect_dma source(%dma_start3A_46 : memref<4096x128xf32, #tpu.memory_space<hbm>>) target(%arg7 : memref<128x128xf32, #tpu.memory_space<vmem>>) offsets(%dma_start3A_43 : memref<128xi32, #tpu.memory_space<vmem>>) semaphore(%arg9 : memref<!tpu.dma_semaphore, #tpu.memory_space<semaphore_mem>>)
    %dma_wait3A_47 = arith.constant 2 : i32
    %dma_wait3A_48 = arith.constant 0 : i32
    %dma_wait3A_49 = tpu.memref_slice %arg5[%dma_wait3A_47, %dma_wait3A_48] : memref<10x128xi32, #tpu.memory_space<vmem>> -> memref<1x128xi32, #tpu.memory_space<vmem>>
    %dma_wait3A_50 = tpu.memref_squeeze %dma_wait3A_49 : memref<1x128xi32, #tpu.memory_space<vmem>> -> memref<128xi32, #tpu.memory_space<vmem>>
    %dma_wait3A_51 = arith.constant 0 : i32
    %dma_wait3A_52 = arith.constant 0 : i32
    %dma_wait3A_53 = tpu.memref_slice %arg2[%dma_wait3A_51, %dma_wait3A_52] : memref<4096x128xf32, #tpu.memory_space<hbm>> -> memref<4096x128xf32, #tpu.memory_space<hbm>>
    tpu.wait_indirect_dma semaphore(%arg8 : memref<!tpu.dma_semaphore, #tpu.memory_space<semaphore_mem>>) src(%dma_wait3A_53 : memref<4096x128xf32, #tpu.memory_space<hbm>>) dst(%arg6 : memref<128x128xf32, #tpu.memory_space<vmem>>)
    %add3A_54 = arith.constant 256 : i32
    %add3A_55 = arith.addi %mul3A_2, %add3A_54 : i32
    "tpu.region"() ({
      %run_scoped3A = tpu.sem_alloc : memref<!tpu.dma_semaphore, #tpu.memory_space<semaphore_mem>>
      %dma_start3A_161 = arith.constant 0 : i32
      %dma_start3A_162 = tpu.memref_slice %arg4[%add3A_55, %dma_start3A_161] : memref<40960x128xf32, #tpu.memory_space<hbm>> -> memref<128x128xf32, #tpu.memory_space<hbm>>
      %dma_start3A_163 = arith.constant 0 : i32
      %dma_start3A_164 = tpu.memref_slice %arg4[%add3A_55, %dma_start3A_163] : memref<40960x128xf32, #tpu.memory_space<hbm>> -> memref<128x128xf32, #tpu.memory_space<hbm>>
      tpu.enqueue_dma source(%arg6 : memref<128x128xf32, #tpu.memory_space<vmem>>) target(%dma_start3A_164 : memref<128x128xf32, #tpu.memory_space<hbm>>) target_semaphore(%run_scoped3A : memref<!tpu.dma_semaphore, #tpu.memory_space<semaphore_mem>>)
      %dma_wait3A_165 = arith.constant 0 : i32
      %dma_wait3A_166 = tpu.memref_slice %arg4[%add3A_55, %dma_wait3A_165] : memref<40960x128xf32, #tpu.memory_space<hbm>> -> memref<128x128xf32, #tpu.memory_space<hbm>>
      %dma_wait3A_167 = arith.constant 0 : i32
      %dma_wait3A_168 = tpu.memref_slice %arg4[%add3A_55, %dma_wait3A_167] : memref<40960x128xf32, #tpu.memory_space<hbm>> -> memref<128x128xf32, #tpu.memory_space<hbm>>
      tpu.wait_dma2 semaphore(%run_scoped3A : memref<!tpu.dma_semaphore, #tpu.memory_space<semaphore_mem>>) src(%arg6 : memref<128x128xf32, #tpu.memory_space<vmem>>) dst(%dma_wait3A_168 : memref<128x128xf32, #tpu.memory_space<hbm>>)
      tpu.yield
    }) : () -> ()
    %dma_start3A_56 = arith.constant 4 : i32
    %dma_start3A_57 = arith.constant 0 : i32
    %dma_start3A_58 = tpu.memref_slice %arg5[%dma_start3A_56, %dma_start3A_57] : memref<10x128xi32, #tpu.memory_space<vmem>> -> memref<1x128xi32, #tpu.memory_space<vmem>>
    %dma_start3A_59 = tpu.memref_squeeze %dma_start3A_58 : memref<1x128xi32, #tpu.memory_space<vmem>> -> memref<128xi32, #tpu.memory_space<vmem>>
    %dma_start3A_60 = arith.constant 0 : i32
    %dma_start3A_61 = arith.constant 0 : i32
    %dma_start3A_62 = tpu.memref_slice %arg2[%dma_start3A_60, %dma_start3A_61] : memref<4096x128xf32, #tpu.memory_space<hbm>> -> memref<4096x128xf32, #tpu.memory_space<hbm>>
    tpu.enqueue_indirect_dma source(%dma_start3A_62 : memref<4096x128xf32, #tpu.memory_space<hbm>>) target(%arg6 : memref<128x128xf32, #tpu.memory_space<vmem>>) offsets(%dma_start3A_59 : memref<128xi32, #tpu.memory_space<vmem>>) semaphore(%arg8 : memref<!tpu.dma_semaphore, #tpu.memory_space<semaphore_mem>>)
    %dma_wait3A_63 = arith.constant 3 : i32
    %dma_wait3A_64 = arith.constant 0 : i32
    %dma_wait3A_65 = tpu.memref_slice %arg5[%dma_wait3A_63, %dma_wait3A_64] : memref<10x128xi32, #tpu.memory_space<vmem>> -> memref<1x128xi32, #tpu.memory_space<vmem>>
    %dma_wait3A_66 = tpu.memref_squeeze %dma_wait3A_65 : memref<1x128xi32, #tpu.memory_space<vmem>> -> memref<128xi32, #tpu.memory_space<vmem>>
    %dma_wait3A_67 = arith.constant 0 : i32
    %dma_wait3A_68 = arith.constant 0 : i32
    %dma_wait3A_69 = tpu.memref_slice %arg2[%dma_wait3A_67, %dma_wait3A_68] : memref<4096x128xf32, #tpu.memory_space<hbm>> -> memref<4096x128xf32, #tpu.memory_space<hbm>>
    tpu.wait_indirect_dma semaphore(%arg9 : memref<!tpu.dma_semaphore, #tpu.memory_space<semaphore_mem>>) src(%dma_wait3A_69 : memref<4096x128xf32, #tpu.memory_space<hbm>>) dst(%arg7 : memref<128x128xf32, #tpu.memory_space<vmem>>)
    %add3A_70 = arith.constant 384 : i32
    %add3A_71 = arith.addi %mul3A_2, %add3A_70 : i32
    "tpu.region"() ({
      %run_scoped3A = tpu.sem_alloc : memref<!tpu.dma_semaphore, #tpu.memory_space<semaphore_mem>>
      %dma_start3A_161 = arith.constant 0 : i32
      %dma_start3A_162 = tpu.memref_slice %arg4[%add3A_71, %dma_start3A_161] : memref<40960x128xf32, #tpu.memory_space<hbm>> -> memref<128x128xf32, #tpu.memory_space<hbm>>
      %dma_start3A_163 = arith.constant 0 : i32
      %dma_start3A_164 = tpu.memref_slice %arg4[%add3A_71, %dma_start3A_163] : memref<40960x128xf32, #tpu.memory_space<hbm>> -> memref<128x128xf32, #tpu.memory_space<hbm>>
      tpu.enqueue_dma source(%arg7 : memref<128x128xf32, #tpu.memory_space<vmem>>) target(%dma_start3A_164 : memref<128x128xf32, #tpu.memory_space<hbm>>) target_semaphore(%run_scoped3A : memref<!tpu.dma_semaphore, #tpu.memory_space<semaphore_mem>>)
      %dma_wait3A_165 = arith.constant 0 : i32
      %dma_wait3A_166 = tpu.memref_slice %arg4[%add3A_71, %dma_wait3A_165] : memref<40960x128xf32, #tpu.memory_space<hbm>> -> memref<128x128xf32, #tpu.memory_space<hbm>>
      %dma_wait3A_167 = arith.constant 0 : i32
      %dma_wait3A_168 = tpu.memref_slice %arg4[%add3A_71, %dma_wait3A_167] : memref<40960x128xf32, #tpu.memory_space<hbm>> -> memref<128x128xf32, #tpu.memory_space<hbm>>
      tpu.wait_dma2 semaphore(%run_scoped3A : memref<!tpu.dma_semaphore, #tpu.memory_space<semaphore_mem>>) src(%arg7 : memref<128x128xf32, #tpu.memory_space<vmem>>) dst(%dma_wait3A_168 : memref<128x128xf32, #tpu.memory_space<hbm>>)
      tpu.yield
    }) : () -> ()
    %dma_start3A_72 = arith.constant 5 : i32
    %dma_start3A_73 = arith.constant 0 : i32
    %dma_start3A_74 = tpu.memref_slice %arg5[%dma_start3A_72, %dma_start3A_73] : memref<10x128xi32, #tpu.memory_space<vmem>> -> memref<1x128xi32, #tpu.memory_space<vmem>>
    %dma_start3A_75 = tpu.memref_squeeze %dma_start3A_74 : memref<1x128xi32, #tpu.memory_space<vmem>> -> memref<128xi32, #tpu.memory_space<vmem>>
    %dma_start3A_76 = arith.constant 0 : i32
    %dma_start3A_77 = arith.constant 0 : i32
    %dma_start3A_78 = tpu.memref_slice %arg2[%dma_start3A_76, %dma_start3A_77] : memref<4096x128xf32, #tpu.memory_space<hbm>> -> memref<4096x128xf32, #tpu.memory_space<hbm>>
    tpu.enqueue_indirect_dma source(%dma_start3A_78 : memref<4096x128xf32, #tpu.memory_space<hbm>>) target(%arg7 : memref<128x128xf32, #tpu.memory_space<vmem>>) offsets(%dma_start3A_75 : memref<128xi32, #tpu.memory_space<vmem>>) semaphore(%arg9 : memref<!tpu.dma_semaphore, #tpu.memory_space<semaphore_mem>>)
    %dma_wait3A_79 = arith.constant 4 : i32
    %dma_wait3A_80 = arith.constant 0 : i32
    %dma_wait3A_81 = tpu.memref_slice %arg5[%dma_wait3A_79, %dma_wait3A_80] : memref<10x128xi32, #tpu.memory_space<vmem>> -> memref<1x128xi32, #tpu.memory_space<vmem>>
    %dma_wait3A_82 = tpu.memref_squeeze %dma_wait3A_81 : memref<1x128xi32, #tpu.memory_space<vmem>> -> memref<128xi32, #tpu.memory_space<vmem>>
    %dma_wait3A_83 = arith.constant 0 : i32
    %dma_wait3A_84 = arith.constant 0 : i32
    %dma_wait3A_85 = tpu.memref_slice %arg2[%dma_wait3A_83, %dma_wait3A_84] : memref<4096x128xf32, #tpu.memory_space<hbm>> -> memref<4096x128xf32, #tpu.memory_space<hbm>>
    tpu.wait_indirect_dma semaphore(%arg8 : memref<!tpu.dma_semaphore, #tpu.memory_space<semaphore_mem>>) src(%dma_wait3A_85 : memref<4096x128xf32, #tpu.memory_space<hbm>>) dst(%arg6 : memref<128x128xf32, #tpu.memory_space<vmem>>)
    %add3A_86 = arith.constant 512 : i32
    %add3A_87 = arith.addi %mul3A_2, %add3A_86 : i32
    "tpu.region"() ({
      %run_scoped3A = tpu.sem_alloc : memref<!tpu.dma_semaphore, #tpu.memory_space<semaphore_mem>>
      %dma_start3A_161 = arith.constant 0 : i32
      %dma_start3A_162 = tpu.memref_slice %arg4[%add3A_87, %dma_start3A_161] : memref<40960x128xf32, #tpu.memory_space<hbm>> -> memref<128x128xf32, #tpu.memory_space<hbm>>
      %dma_start3A_163 = arith.constant 0 : i32
      %dma_start3A_164 = tpu.memref_slice %arg4[%add3A_87, %dma_start3A_163] : memref<40960x128xf32, #tpu.memory_space<hbm>> -> memref<128x128xf32, #tpu.memory_space<hbm>>
      tpu.enqueue_dma source(%arg6 : memref<128x128xf32, #tpu.memory_space<vmem>>) target(%dma_start3A_164 : memref<128x128xf32, #tpu.memory_space<hbm>>) target_semaphore(%run_scoped3A : memref<!tpu.dma_semaphore, #tpu.memory_space<semaphore_mem>>)
      %dma_wait3A_165 = arith.constant 0 : i32
      %dma_wait3A_166 = tpu.memref_slice %arg4[%add3A_87, %dma_wait3A_165] : memref<40960x128xf32, #tpu.memory_space<hbm>> -> memref<128x128xf32, #tpu.memory_space<hbm>>
      %dma_wait3A_167 = arith.constant 0 : i32
      %dma_wait3A_168 = tpu.memref_slice %arg4[%add3A_87, %dma_wait3A_167] : memref<40960x128xf32, #tpu.memory_space<hbm>> -> memref<128x128xf32, #tpu.memory_space<hbm>>
      tpu.wait_dma2 semaphore(%run_scoped3A : memref<!tpu.dma_semaphore, #tpu.memory_space<semaphore_mem>>) src(%arg6 : memref<128x128xf32, #tpu.memory_space<vmem>>) dst(%dma_wait3A_168 : memref<128x128xf32, #tpu.memory_space<hbm>>)
      tpu.yield
    }) : () -> ()
    %dma_start3A_88 = arith.constant 6 : i32
    %dma_start3A_89 = arith.constant 0 : i32
    %dma_start3A_90 = tpu.memref_slice %arg5[%dma_start3A_88, %dma_start3A_89] : memref<10x128xi32, #tpu.memory_space<vmem>> -> memref<1x128xi32, #tpu.memory_space<vmem>>
    %dma_start3A_91 = tpu.memref_squeeze %dma_start3A_90 : memref<1x128xi32, #tpu.memory_space<vmem>> -> memref<128xi32, #tpu.memory_space<vmem>>
    %dma_start3A_92 = arith.constant 0 : i32
    %dma_start3A_93 = arith.constant 0 : i32
    %dma_start3A_94 = tpu.memref_slice %arg2[%dma_start3A_92, %dma_start3A_93] : memref<4096x128xf32, #tpu.memory_space<hbm>> -> memref<4096x128xf32, #tpu.memory_space<hbm>>
    tpu.enqueue_indirect_dma source(%dma_start3A_94 : memref<4096x128xf32, #tpu.memory_space<hbm>>) target(%arg6 : memref<128x128xf32, #tpu.memory_space<vmem>>) offsets(%dma_start3A_91 : memref<128xi32, #tpu.memory_space<vmem>>) semaphore(%arg8 : memref<!tpu.dma_semaphore, #tpu.memory_space<semaphore_mem>>)
    %dma_wait3A_95 = arith.constant 5 : i32
    %dma_wait3A_96 = arith.constant 0 : i32
    %dma_wait3A_97 = tpu.memref_slice %arg5[%dma_wait3A_95, %dma_wait3A_96] : memref<10x128xi32, #tpu.memory_space<vmem>> -> memref<1x128xi32, #tpu.memory_space<vmem>>
    %dma_wait3A_98 = tpu.memref_squeeze %dma_wait3A_97 : memref<1x128xi32, #tpu.memory_space<vmem>> -> memref<128xi32, #tpu.memory_space<vmem>>
    %dma_wait3A_99 = arith.constant 0 : i32
    %dma_wait3A_100 = arith.constant 0 : i32
    %dma_wait3A_101 = tpu.memref_slice %arg2[%dma_wait3A_99, %dma_wait3A_100] : memref<4096x128xf32, #tpu.memory_space<hbm>> -> memref<4096x128xf32, #tpu.memory_space<hbm>>
    tpu.wait_indirect_dma semaphore(%arg9 : memref<!tpu.dma_semaphore, #tpu.memory_space<semaphore_mem>>) src(%dma_wait3A_101 : memref<4096x128xf32, #tpu.memory_space<hbm>>) dst(%arg7 : memref<128x128xf32, #tpu.memory_space<vmem>>)
    %add3A_102 = arith.constant 640 : i32
    %add3A_103 = arith.addi %mul3A_2, %add3A_102 : i32
    "tpu.region"() ({
      %run_scoped3A = tpu.sem_alloc : memref<!tpu.dma_semaphore, #tpu.memory_space<semaphore_mem>>
      %dma_start3A_161 = arith.constant 0 : i32
      %dma_start3A_162 = tpu.memref_slice %arg4[%add3A_103, %dma_start3A_161] : memref<40960x128xf32, #tpu.memory_space<hbm>> -> memref<128x128xf32, #tpu.memory_space<hbm>>
      %dma_start3A_163 = arith.constant 0 : i32
      %dma_start3A_164 = tpu.memref_slice %arg4[%add3A_103, %dma_start3A_163] : memref<40960x128xf32, #tpu.memory_space<hbm>> -> memref<128x128xf32, #tpu.memory_space<hbm>>
      tpu.enqueue_dma source(%arg7 : memref<128x128xf32, #tpu.memory_space<vmem>>) target(%dma_start3A_164 : memref<128x128xf32, #tpu.memory_space<hbm>>) target_semaphore(%run_scoped3A : memref<!tpu.dma_semaphore, #tpu.memory_space<semaphore_mem>>)
      %dma_wait3A_165 = arith.constant 0 : i32
      %dma_wait3A_166 = tpu.memref_slice %arg4[%add3A_103, %dma_wait3A_165] : memref<40960x128xf32, #tpu.memory_space<hbm>> -> memref<128x128xf32, #tpu.memory_space<hbm>>
      %dma_wait3A_167 = arith.constant 0 : i32
      %dma_wait3A_168 = tpu.memref_slice %arg4[%add3A_103, %dma_wait3A_167] : memref<40960x128xf32, #tpu.memory_space<hbm>> -> memref<128x128xf32, #tpu.memory_space<hbm>>
      tpu.wait_dma2 semaphore(%run_scoped3A : memref<!tpu.dma_semaphore, #tpu.memory_space<semaphore_mem>>) src(%arg7 : memref<128x128xf32, #tpu.memory_space<vmem>>) dst(%dma_wait3A_168 : memref<128x128xf32, #tpu.memory_space<hbm>>)
      tpu.yield
    }) : () -> ()
    %dma_start3A_104 = arith.constant 7 : i32
    %dma_start3A_105 = arith.constant 0 : i32
    %dma_start3A_106 = tpu.memref_slice %arg5[%dma_start3A_104, %dma_start3A_105] : memref<10x128xi32, #tpu.memory_space<vmem>> -> memref<1x128xi32, #tpu.memory_space<vmem>>
    %dma_start3A_107 = tpu.memref_squeeze %dma_start3A_106 : memref<1x128xi32, #tpu.memory_space<vmem>> -> memref<128xi32, #tpu.memory_space<vmem>>
    %dma_start3A_108 = arith.constant 0 : i32
    %dma_start3A_109 = arith.constant 0 : i32
    %dma_start3A_110 = tpu.memref_slice %arg2[%dma_start3A_108, %dma_start3A_109] : memref<4096x128xf32, #tpu.memory_space<hbm>> -> memref<4096x128xf32, #tpu.memory_space<hbm>>
    tpu.enqueue_indirect_dma source(%dma_start3A_110 : memref<4096x128xf32, #tpu.memory_space<hbm>>) target(%arg7 : memref<128x128xf32, #tpu.memory_space<vmem>>) offsets(%dma_start3A_107 : memref<128xi32, #tpu.memory_space<vmem>>) semaphore(%arg9 : memref<!tpu.dma_semaphore, #tpu.memory_space<semaphore_mem>>)
    %dma_wait3A_111 = arith.constant 6 : i32
    %dma_wait3A_112 = arith.constant 0 : i32
    %dma_wait3A_113 = tpu.memref_slice %arg5[%dma_wait3A_111, %dma_wait3A_112] : memref<10x128xi32, #tpu.memory_space<vmem>> -> memref<1x128xi32, #tpu.memory_space<vmem>>
    %dma_wait3A_114 = tpu.memref_squeeze %dma_wait3A_113 : memref<1x128xi32, #tpu.memory_space<vmem>> -> memref<128xi32, #tpu.memory_space<vmem>>
    %dma_wait3A_115 = arith.constant 0 : i32
    %dma_wait3A_116 = arith.constant 0 : i32
    %dma_wait3A_117 = tpu.memref_slice %arg2[%dma_wait3A_115, %dma_wait3A_116] : memref<4096x128xf32, #tpu.memory_space<hbm>> -> memref<4096x128xf32, #tpu.memory_space<hbm>>
    tpu.wait_indirect_dma semaphore(%arg8 : memref<!tpu.dma_semaphore, #tpu.memory_space<semaphore_mem>>) src(%dma_wait3A_117 : memref<4096x128xf32, #tpu.memory_space<hbm>>) dst(%arg6 : memref<128x128xf32, #tpu.memory_space<vmem>>)
    %add3A_118 = arith.constant 768 : i32
    %add3A_119 = arith.addi %mul3A_2, %add3A_118 : i32
    "tpu.region"() ({
      %run_scoped3A = tpu.sem_alloc : memref<!tpu.dma_semaphore, #tpu.memory_space<semaphore_mem>>
      %dma_start3A_161 = arith.constant 0 : i32
      %dma_start3A_162 = tpu.memref_slice %arg4[%add3A_119, %dma_start3A_161] : memref<40960x128xf32, #tpu.memory_space<hbm>> -> memref<128x128xf32, #tpu.memory_space<hbm>>
      %dma_start3A_163 = arith.constant 0 : i32
      %dma_start3A_164 = tpu.memref_slice %arg4[%add3A_119, %dma_start3A_163] : memref<40960x128xf32, #tpu.memory_space<hbm>> -> memref<128x128xf32, #tpu.memory_space<hbm>>
      tpu.enqueue_dma source(%arg6 : memref<128x128xf32, #tpu.memory_space<vmem>>) target(%dma_start3A_164 : memref<128x128xf32, #tpu.memory_space<hbm>>) target_semaphore(%run_scoped3A : memref<!tpu.dma_semaphore, #tpu.memory_space<semaphore_mem>>)
      %dma_wait3A_165 = arith.constant 0 : i32
      %dma_wait3A_166 = tpu.memref_slice %arg4[%add3A_119, %dma_wait3A_165] : memref<40960x128xf32, #tpu.memory_space<hbm>> -> memref<128x128xf32, #tpu.memory_space<hbm>>
      %dma_wait3A_167 = arith.constant 0 : i32
      %dma_wait3A_168 = tpu.memref_slice %arg4[%add3A_119, %dma_wait3A_167] : memref<40960x128xf32, #tpu.memory_space<hbm>> -> memref<128x128xf32, #tpu.memory_space<hbm>>
      tpu.wait_dma2 semaphore(%run_scoped3A : memref<!tpu.dma_semaphore, #tpu.memory_space<semaphore_mem>>) src(%arg6 : memref<128x128xf32, #tpu.memory_space<vmem>>) dst(%dma_wait3A_168 : memref<128x128xf32, #tpu.memory_space<hbm>>)
      tpu.yield
    }) : () -> ()
    %dma_start3A_120 = arith.constant 8 : i32
    %dma_start3A_121 = arith.constant 0 : i32
    %dma_start3A_122 = tpu.memref_slice %arg5[%dma_start3A_120, %dma_start3A_121] : memref<10x128xi32, #tpu.memory_space<vmem>> -> memref<1x128xi32, #tpu.memory_space<vmem>>
    %dma_start3A_123 = tpu.memref_squeeze %dma_start3A_122 : memref<1x128xi32, #tpu.memory_space<vmem>> -> memref<128xi32, #tpu.memory_space<vmem>>
    %dma_start3A_124 = arith.constant 0 : i32
    %dma_start3A_125 = arith.constant 0 : i32
    %dma_start3A_126 = tpu.memref_slice %arg2[%dma_start3A_124, %dma_start3A_125] : memref<4096x128xf32, #tpu.memory_space<hbm>> -> memref<4096x128xf32, #tpu.memory_space<hbm>>
    tpu.enqueue_indirect_dma source(%dma_start3A_126 : memref<4096x128xf32, #tpu.memory_space<hbm>>) target(%arg6 : memref<128x128xf32, #tpu.memory_space<vmem>>) offsets(%dma_start3A_123 : memref<128xi32, #tpu.memory_space<vmem>>) semaphore(%arg8 : memref<!tpu.dma_semaphore, #tpu.memory_space<semaphore_mem>>)
    %dma_wait3A_127 = arith.constant 7 : i32
    %dma_wait3A_128 = arith.constant 0 : i32
    %dma_wait3A_129 = tpu.memref_slice %arg5[%dma_wait3A_127, %dma_wait3A_128] : memref<10x128xi32, #tpu.memory_space<vmem>> -> memref<1x128xi32, #tpu.memory_space<vmem>>
    %dma_wait3A_130 = tpu.memref_squeeze %dma_wait3A_129 : memref<1x128xi32, #tpu.memory_space<vmem>> -> memref<128xi32, #tpu.memory_space<vmem>>
    %dma_wait3A_131 = arith.constant 0 : i32
    %dma_wait3A_132 = arith.constant 0 : i32
    %dma_wait3A_133 = tpu.memref_slice %arg2[%dma_wait3A_131, %dma_wait3A_132] : memref<4096x128xf32, #tpu.memory_space<hbm>> -> memref<4096x128xf32, #tpu.memory_space<hbm>>
    tpu.wait_indirect_dma semaphore(%arg9 : memref<!tpu.dma_semaphore, #tpu.memory_space<semaphore_mem>>) src(%dma_wait3A_133 : memref<4096x128xf32, #tpu.memory_space<hbm>>) dst(%arg7 : memref<128x128xf32, #tpu.memory_space<vmem>>)
    %add3A_134 = arith.constant 896 : i32
    %add3A_135 = arith.addi %mul3A_2, %add3A_134 : i32
    "tpu.region"() ({
      %run_scoped3A = tpu.sem_alloc : memref<!tpu.dma_semaphore, #tpu.memory_space<semaphore_mem>>
      %dma_start3A_161 = arith.constant 0 : i32
      %dma_start3A_162 = tpu.memref_slice %arg4[%add3A_135, %dma_start3A_161] : memref<40960x128xf32, #tpu.memory_space<hbm>> -> memref<128x128xf32, #tpu.memory_space<hbm>>
      %dma_start3A_163 = arith.constant 0 : i32
      %dma_start3A_164 = tpu.memref_slice %arg4[%add3A_135, %dma_start3A_163] : memref<40960x128xf32, #tpu.memory_space<hbm>> -> memref<128x128xf32, #tpu.memory_space<hbm>>
      tpu.enqueue_dma source(%arg7 : memref<128x128xf32, #tpu.memory_space<vmem>>) target(%dma_start3A_164 : memref<128x128xf32, #tpu.memory_space<hbm>>) target_semaphore(%run_scoped3A : memref<!tpu.dma_semaphore, #tpu.memory_space<semaphore_mem>>)
      %dma_wait3A_165 = arith.constant 0 : i32
      %dma_wait3A_166 = tpu.memref_slice %arg4[%add3A_135, %dma_wait3A_165] : memref<40960x128xf32, #tpu.memory_space<hbm>> -> memref<128x128xf32, #tpu.memory_space<hbm>>
      %dma_wait3A_167 = arith.constant 0 : i32
      %dma_wait3A_168 = tpu.memref_slice %arg4[%add3A_135, %dma_wait3A_167] : memref<40960x128xf32, #tpu.memory_space<hbm>> -> memref<128x128xf32, #tpu.memory_space<hbm>>
      tpu.wait_dma2 semaphore(%run_scoped3A : memref<!tpu.dma_semaphore, #tpu.memory_space<semaphore_mem>>) src(%arg7 : memref<128x128xf32, #tpu.memory_space<vmem>>) dst(%dma_wait3A_168 : memref<128x128xf32, #tpu.memory_space<hbm>>)
      tpu.yield
    }) : () -> ()
    %dma_start3A_136 = arith.constant 9 : i32
    %dma_start3A_137 = arith.constant 0 : i32
    %dma_start3A_138 = tpu.memref_slice %arg5[%dma_start3A_136, %dma_start3A_137] : memref<10x128xi32, #tpu.memory_space<vmem>> -> memref<1x128xi32, #tpu.memory_space<vmem>>
    %dma_start3A_139 = tpu.memref_squeeze %dma_start3A_138 : memref<1x128xi32, #tpu.memory_space<vmem>> -> memref<128xi32, #tpu.memory_space<vmem>>
    %dma_start3A_140 = arith.constant 0 : i32
    %dma_start3A_141 = arith.constant 0 : i32
    %dma_start3A_142 = tpu.memref_slice %arg2[%dma_start3A_140, %dma_start3A_141] : memref<4096x128xf32, #tpu.memory_space<hbm>> -> memref<4096x128xf32, #tpu.memory_space<hbm>>
    tpu.enqueue_indirect_dma source(%dma_start3A_142 : memref<4096x128xf32, #tpu.memory_space<hbm>>) target(%arg7 : memref<128x128xf32, #tpu.memory_space<vmem>>) offsets(%dma_start3A_139 : memref<128xi32, #tpu.memory_space<vmem>>) semaphore(%arg9 : memref<!tpu.dma_semaphore, #tpu.memory_space<semaphore_mem>>)
    %dma_wait3A_143 = arith.constant 8 : i32
    %dma_wait3A_144 = arith.constant 0 : i32
    %dma_wait3A_145 = tpu.memref_slice %arg5[%dma_wait3A_143, %dma_wait3A_144] : memref<10x128xi32, #tpu.memory_space<vmem>> -> memref<1x128xi32, #tpu.memory_space<vmem>>
    %dma_wait3A_146 = tpu.memref_squeeze %dma_wait3A_145 : memref<1x128xi32, #tpu.memory_space<vmem>> -> memref<128xi32, #tpu.memory_space<vmem>>
    %dma_wait3A_147 = arith.constant 0 : i32
    %dma_wait3A_148 = arith.constant 0 : i32
    %dma_wait3A_149 = tpu.memref_slice %arg2[%dma_wait3A_147, %dma_wait3A_148] : memref<4096x128xf32, #tpu.memory_space<hbm>> -> memref<4096x128xf32, #tpu.memory_space<hbm>>
    tpu.wait_indirect_dma semaphore(%arg8 : memref<!tpu.dma_semaphore, #tpu.memory_space<semaphore_mem>>) src(%dma_wait3A_149 : memref<4096x128xf32, #tpu.memory_space<hbm>>) dst(%arg6 : memref<128x128xf32, #tpu.memory_space<vmem>>)
    %add3A_150 = arith.constant 1024 : i32
    %add3A_151 = arith.addi %mul3A_2, %add3A_150 : i32
    "tpu.region"() ({
      %run_scoped3A = tpu.sem_alloc : memref<!tpu.dma_semaphore, #tpu.memory_space<semaphore_mem>>
      %dma_start3A_161 = arith.constant 0 : i32
      %dma_start3A_162 = tpu.memref_slice %arg4[%add3A_151, %dma_start3A_161] : memref<40960x128xf32, #tpu.memory_space<hbm>> -> memref<128x128xf32, #tpu.memory_space<hbm>>
      %dma_start3A_163 = arith.constant 0 : i32
      %dma_start3A_164 = tpu.memref_slice %arg4[%add3A_151, %dma_start3A_163] : memref<40960x128xf32, #tpu.memory_space<hbm>> -> memref<128x128xf32, #tpu.memory_space<hbm>>
      tpu.enqueue_dma source(%arg6 : memref<128x128xf32, #tpu.memory_space<vmem>>) target(%dma_start3A_164 : memref<128x128xf32, #tpu.memory_space<hbm>>) target_semaphore(%run_scoped3A : memref<!tpu.dma_semaphore, #tpu.memory_space<semaphore_mem>>)
      %dma_wait3A_165 = arith.constant 0 : i32
      %dma_wait3A_166 = tpu.memref_slice %arg4[%add3A_151, %dma_wait3A_165] : memref<40960x128xf32, #tpu.memory_space<hbm>> -> memref<128x128xf32, #tpu.memory_space<hbm>>
      %dma_wait3A_167 = arith.constant 0 : i32
      %dma_wait3A_168 = tpu.memref_slice %arg4[%add3A_151, %dma_wait3A_167] : memref<40960x128xf32, #tpu.memory_space<hbm>> -> memref<128x128xf32, #tpu.memory_space<hbm>>
      tpu.wait_dma2 semaphore(%run_scoped3A : memref<!tpu.dma_semaphore, #tpu.memory_space<semaphore_mem>>) src(%arg6 : memref<128x128xf32, #tpu.memory_space<vmem>>) dst(%dma_wait3A_168 : memref<128x128xf32, #tpu.memory_space<hbm>>)
      tpu.yield
    }) : () -> ()
    %dma_wait3A_152 = arith.constant 9 : i32
    %dma_wait3A_153 = arith.constant 0 : i32
    %dma_wait3A_154 = tpu.memref_slice %arg5[%dma_wait3A_152, %dma_wait3A_153] : memref<10x128xi32, #tpu.memory_space<vmem>> -> memref<1x128xi32, #tpu.memory_space<vmem>>
    %dma_wait3A_155 = tpu.memref_squeeze %dma_wait3A_154 : memref<1x128xi32, #tpu.memory_space<vmem>> -> memref<128xi32, #tpu.memory_space<vmem>>
    %dma_wait3A_156 = arith.constant 0 : i32
    %dma_wait3A_157 = arith.constant 0 : i32
    %dma_wait3A_158 = tpu.memref_slice %arg2[%dma_wait3A_156, %dma_wait3A_157] : memref<4096x128xf32, #tpu.memory_space<hbm>> -> memref<4096x128xf32, #tpu.memory_space<hbm>>
    tpu.wait_indirect_dma semaphore(%arg9 : memref<!tpu.dma_semaphore, #tpu.memory_space<semaphore_mem>>) src(%dma_wait3A_158 : memref<4096x128xf32, #tpu.memory_space<hbm>>) dst(%arg7 : memref<128x128xf32, #tpu.memory_space<vmem>>)
    %add3A_159 = arith.constant 1152 : i32
    %add3A_160 = arith.addi %mul3A_2, %add3A_159 : i32
    "tpu.region"() ({
      %run_scoped3A = tpu.sem_alloc : memref<!tpu.dma_semaphore, #tpu.memory_space<semaphore_mem>>
      %dma_start3A_161 = arith.constant 0 : i32
      %dma_start3A_162 = tpu.memref_slice %arg4[%add3A_160, %dma_start3A_161] : memref<40960x128xf32, #tpu.memory_space<hbm>> -> memref<128x128xf32, #tpu.memory_space<hbm>>
      %dma_start3A_163 = arith.constant 0 : i32
      %dma_start3A_164 = tpu.memref_slice %arg4[%add3A_160, %dma_start3A_163] : memref<40960x128xf32, #tpu.memory_space<hbm>> -> memref<128x128xf32, #tpu.memory_space<hbm>>
      tpu.enqueue_dma source(%arg7 : memref<128x128xf32, #tpu.memory_space<vmem>>) target(%dma_start3A_164 : memref<128x128xf32, #tpu.memory_space<hbm>>) target_semaphore(%run_scoped3A : memref<!tpu.dma_semaphore, #tpu.memory_space<semaphore_mem>>)
      %dma_wait3A_165 = arith.constant 0 : i32
      %dma_wait3A_166 = tpu.memref_slice %arg4[%add3A_160, %dma_wait3A_165] : memref<40960x128xf32, #tpu.memory_space<hbm>> -> memref<128x128xf32, #tpu.memory_space<hbm>>
      %dma_wait3A_167 = arith.constant 0 : i32
      %dma_wait3A_168 = tpu.memref_slice %arg4[%add3A_160, %dma_wait3A_167] : memref<40960x128xf32, #tpu.memory_space<hbm>> -> memref<128x128xf32, #tpu.memory_space<hbm>>
      tpu.wait_dma2 semaphore(%run_scoped3A : memref<!tpu.dma_semaphore, #tpu.memory_space<semaphore_mem>>) src(%arg7 : memref<128x128xf32, #tpu.memory_space<vmem>>) dst(%dma_wait3A_168 : memref<128x128xf32, #tpu.memory_space<hbm>>)
      tpu.yield
    }) : () -> ()
    return
  }
}

</mosaic_0001>

<sc_bundles>
// kernel: _sc_gather_call.3.cloned.1.call-start
scs
__scs_entry_jumppad:
0x0: {  	(pc) =	sbr.rel $0x88, $3  }
0x1: {  	(tag) =	ssettag $0x0;
	lr =	simm.s32 $0x1  }
0x2: {  	[smem:$0x3F9F] =	sst lr;
	_ =	strace $0xD0000000  }
0x3: {  	_ = 	snop  }
0x4: {  	_ = 	snop  }
0x5: {  	_ = 	snop  }
0x6: {  	_ = 	snop  }
0x7: {  	_ = 	snop  }
__scs_overlays_trampoline_lowered:
0x8: {  	[smem:$0x3FAE] =	sst s0  }
0x9: {  	[smem:$0x3FAF] =	sst s1  }
0xa: {  	[smem:$0x3FB0] =	sst s2  }
0xb: {  	[smem:$0x3FB1] =	sst s3  }
0xc: {  	[smem:$0x3FB2] =	sst s4  }
0xd: {  	[smem:$0x3FB3] =	sst s5  }
0xe: {  	[smem:$0x3FB4] =	sst s6  }
0xf: {  	[smem:$0x3FB5] =	sst s7  }
0x10: {  	[smem:$0x3FB6] =	sst s8  }
0x11: {  	[smem:$0x3FB7] =	sst s9;
	s0 =	simm.s32 @!p0 $0x0  }
0x12: {  	s1 =	sld [smem:$0x3F9D];
	s0 =	simm.s32 @p0 $0x1  }
0x13: {  	[smem:$0x3FB8] =	sst s0;
	s0 =	simm.s32 @!p1 $0x0  }
0x14: {  	s2 =	sld [smem:$0x3F9C];
	s0 =	simm.s32 @p1 $0x1  }
0x15: {  	[smem:$0x3FB9] =	sst s0;
	s0 =	simm.s32 @!p2 $0x0  }
0x16: {  	s3 =	sld [smem:$0x3FDB];
	s0 =	simm.s32 @p2 $0x1  }
0x17: {  	s4 =	simm.s32 $0x1BF5;
	[smem:$0x3FBB] =	sst s0  }
0x18: {  	s0 =	sld [smem:$0x3F9E];
	_ =	swait.ge [sflag:s4], $0x0  }
0x19: {  	s7 =	sld [smem:$0x3F9F]  }
0x1a: {  	s8 =	sadd.s32 $0xFFFFE003, lr  }
0x1b: {  	s9 =	sadd.s32 $0xFFFFFEF7, lr;
	s5 =	simm.s32 $0xFFFFFFFF;
	p2 =	slt.u32 s8, $0xFFFFF086  }
0x1c: {  	p1 =	slt.u32 s9, $0xF7A;
	s5 =	simm.s32 @!p2 $0x0  }
0x1d: {  	s5 =	simm.s32 @p1 $0x1;
	p0 =	seq.s32 s7, s2  }
0x1e: {  	s7 =	smul.u32 @!p0 $0xF7A, s2;
	p2 =	seq.s32 @!p0 s5, $0x0  }
0x1f: {  	s9 =	smul.u32 $0xF7A, s1;
	s8 =	simm.s32 @!p0 $0x1BF5;
	p2 =	por !p2, p0  }
0x20: {  	[sflag:s8] =	ssyncset.s32 @!p0 $0xFFFFF086;
	s6 =	sadd.s32 @!p0 s3, s7;
	s7 =	simm.s32 @!p0 $0x108  }
0x21: {  	s3 =	sadd.s32 s3, s9;
	s6 =	sadd.s32 @!p0 $0x88, s6;
	s7 =	simm.s32 @p2 $0x1082  }
0x22: {  	[simem:s7], [sflag:s8] =	dma.local @!p0 [hbm:s6], $0xF7A  }
0x23: {  	s9 =	sor.u32 $0xD0000000, s2;
	s6 =	simm.s32 $0x108;
	_ =	swait.ge @!p0 [sflag:s8], $0x0  }
0x24: {  	s3 =	sadd.s32 $0x88, s3;
	s6 =	simm.s32 @!p1 $0x1082;
	[sflag:s4] =	ssyncset.s32 $0xFFFFF086  }
0x25: {  	[simem:s6], [sflag:s4] =	dma.local [hbm:s3], $0xF7A  }
0x26: {  	[smem:$0x3F9F] =	sst s1;
	(tag) =	ssettag s2;
	_ =	strace s9  }
0x27: {  	s1 =	sld [smem:$0x3FAF]  }
0x28: {  	s2 =	sld [smem:$0x3FB0]  }
0x29: {  	s4 =	sld [smem:$0x3FB2]  }
0x2a: {  	p0 =	seq.s32 s5, $0x0;
	s5 =	sld [smem:$0x3FB3]  }
0x2b: {  	s6 =	sld [smem:$0x3FB4]  }
0x2c: {  	s7 =	sld [smem:$0x3FB5]  }
0x2d: {  	s3 =	simm.s32 $0x108;
	s8 =	sld [smem:$0x3FB6]  }
0x2e: {  	s3 =	simm.s32 @!p0 $0x1082;
	s9 =	sld [smem:$0x3FB7]  }
0x2f: {  	lr =	sadd.s32 s0, s3;
	s0 =	sld [smem:$0x3FAE]  }
0x30: {  	s3 =	sld [smem:$0x3FB1]  }
0x31: {  	[smem:$0x3FBA] =	sst s10  }
0x32: {  	s10 =	sld [smem:$0x3FB8];
	_ =	sdelay $0x3  }
0x33: {  	p0 =	seq.s32 s10, $0x1;
	s10 =	sld [smem:$0x3FBA];
	_ =	sdelay $0x3  }
0x34: {  	[smem:$0x3FBA] =	sst s10  }
0x35: {  	s10 =	sld [smem:$0x3FB9];
	_ =	sdelay $0x3  }
0x36: {  	p1 =	seq.s32 s10, $0x1;
	s10 =	sld [smem:$0x3FBA];
	_ =	sdelay $0x3  }
0x37: {  	[smem:$0x3FBA] =	sst s10  }
0x38: {  	s10 =	sld [smem:$0x3FBB]  }
0x39: {  	_ = 	snop;
	(pc) =	sbr.ind lr, $3  }
0x3a: {  	_ = 	snop  }
0x3b: {  	_ = 	snop  }
0x3c: {  	p2 =	seq.s32 s10, $0x1;
	s10 =	sld [smem:$0x3FBA]  }
0x3d: {  	_ =	shalt  }
0x3e: {  	_ =	shalt  }
0x3f: {  	_ =	shalt  }
0x40: {  	_ =	shalt  }
0x41: {  	_ =	shalt  }
0x42: {  	_ =	shalt  }
0x43: {  	_ =	shalt  }
0x44: {  	_ =	shalt  }
0x45: {  	_ =	shalt  }
0x46: {  	_ =	shalt  }
0x47: {  	_ =	shalt  }
0x48: {  	_ =	shalt  }
0x49: {  	_ =	shalt  }
0x4a: {  	_ =	shalt  }
0x4b: {  	_ =	shalt  }
0x4c: {  	_ =	shalt  }
0x4d: {  	_ =	shalt  }
0x4e: {  	_ =	shalt  }
0x4f: {  	_ =	shalt  }
0x50: {  	_ =	shalt  }
0x51: {  	_ =	shalt  }
0x52: {  	_ =	shalt  }
0x53: {  	_ =	shalt  }
0x54: {  	_ =	shalt  }
0x55: {  	_ =	shalt  }
0x56: {  	_ =	shalt  }
0x57: {  	_ =	shalt  }
0x58: {  	_ =	shalt  }
0x59: {  	_ =	shalt  }
0x5a: {  	_ =	shalt  }
0x5b: {  	_ =	shalt  }
0x5c: {  	_ =	shalt  }
0x5d: {  	_ =	shalt  }
0x5e: {  	_ =	shalt  }
0x5f: {  	_ =	shalt  }
0x60: {  	_ =	shalt  }
0x61: {  	_ =	shalt  }
0x62: {  	_ =	shalt  }
0x63: {  	_ =	shalt  }
0x64: {  	_ =	shalt  }
0x65: {  	_ =	shalt  }
0x66: {  	_ =	shalt  }
0x67: {  	_ =	shalt  }
0x68: {  	_ =	shalt  }
0x69: {  	_ =	shalt  }
0x6a: {  	_ =	shalt  }
0x6b: {  	_ =	shalt  }
0x6c: {  	_ =	shalt  }
0x6d: {  	_ =	shalt  }
0x6e: {  	_ =	shalt  }
0x6f: {  	_ =	shalt  }
0x70: {  	_ =	shalt  }
0x71: {  	_ =	shalt  }
0x72: {  	_ =	shalt  }
0x73: {  	_ =	shalt  }
0x74: {  	_ =	shalt  }
0x75: {  	_ =	shalt  }
0x76: {  	_ =	shalt  }
0x77: {  	_ =	shalt  }
0x78: {  	_ =	shalt  }
0x79: {  	_ =	shalt  }
0x7a: {  	_ =	shalt  }
0x7b: {  	_ =	shalt  }
0x7c: {  	_ =	shalt  }
0x7d: {  	_ =	shalt  }
0x7e: {  	_ =	shalt  }
0x7f: {  	_ =	shalt  }
0x80: {  	_ =	shalt  }
0x81: {  	_ =	shalt  }
0x82: {  	_ =	shalt  }
0x83: {  	_ =	shalt  }
0x84: {  	_ =	shalt  }
0x85: {  	_ =	shalt  }
0x86: {  	_ =	shalt  }
0x87: {  	_ =	shalt  }
.Lfunc_end0:
.L_simem_size_0:
called_computation_lowered:
.L_overlay_start_0:
0x88: {  	s2 =	sld [smem:$0x3FD9]  }
0x89: {  	s3 =	sld [smem:$0x3FFE];
	_ =	sdelay $0x1  }
0x8a: {  	s1 =	srdreg.scid  }
0x8b: {  	s0 =	sand.u32 $0x1, s1  }
0x8c: {  	s17 =	sshll.u32 s0, $0xA;
	s2 =	sadd.s32 s3, s2  }
0x8d: {  	s2 =	sadd.s32 s2, s17  }
0x8e: {  	[smem:$0x3FC6] =	sst s2  }
0x8f: {  	_ = 	snop  }
0x90: {  	s2 =	sld [smem:$0x3FC9]  }
0x91: {  	s18 =	sld [smem:$0x3FD0];
	(tm) =	ssettm $0x1  }
0x92: {  	s4 =	sld [smem:$0x3FFB];
	_ =	sdelay $0x3  }
0x93: {  	_ =	strace s4  }
0x94: {  	s4 =	sld [smem:$0x3FFC];
	_ =	sdelay $0x3  }
0x95: {  	_ =	strace s4  }
0x96: {  	s4 =	sld [smem:$0x3FFD];
	_ =	sdelay $0x3  }
0x97: {  	_ =	strace s4  }
0x98: {  	_ =	strace $0x8FFFFFFF  }
0x99: {  	s19 =	sld [smem:$0x3FDB];
	_ =	sdelay $0x1  }
0x9a: {  	s5 =	simm.s32 $_scs_section_size  }
0x9b: {  	s6 =	simm.s32 $_size__tile_overlayer_lowered;
	s7 =	simm.s32 $_tile_overlayer_lowered  }
0x9c: {  	s22 =	simm.s32 $0x1BFF;
	s21 =	sshll.u32 s7, $0x1;
	s4 =	sadd.s32 s5, s19  }
0x9d: {  	s8 =	simm.s32 $0x0;
	s20 =	sshll.u32 s6, $0x1;
	s6 =	sadd.s32 s21, s4  }
0x9e: {  	[timem:s8], [sflag:s22] =	dma.local [hbm:s6], s20  }
0x9f: {  	_ =	swait.ge [sflag:s22], s20  }
0xa0: {  	s5 =	ssub.s32 $0x0, s20;
	[sflag:s22] =	ssyncset.done $0x0  }
0xa1: {  	[sflag:s22] =	ssyncadd.s32 s5;
	_ =	sdelay $0x1  }
0xa2: {  	s23 =	simm.s32 $0x1B8B  }
0xa3: {  	_ =	swait.ge [sflag:s23], $0x1  }
0xa4: {  	[sflag:s23] =	ssyncset.done $0x0  }
0xa5: {  	s25 =	simm.s32 $0x1B8E;
	s24 =	sld [smem:$0x3FFE];
	[sflag:s23] =	ssyncadd.s32 $0xFFFFFFFF  }
0xa6: {  	s26 =	simm.s32 $execute0_lowered;
	[smem:$0x3FD2] =	sst s25  }
0xa7: {  	s6 =	sshll.u32 s26, $0x1;
	_ =	strace $0x80000046;
	[dreg:$0x1] =	wrdreg $0xFFFFFFFF  }
0xa8: {  	s28 =	simm.s32 $_size_execute0_lowered;
	s4 =	sadd.s32 s4, s6;
	[dreg:$0x0] =	wrdreg $0x0  }
0xa9: {  	s6 =	sshll.u32 s28, $0x1;
	[dreg:$0x2] =	wrdreg s4  }
0xaa: {  	[dreg:$0x3] =	wrdreg s6  }
0xab: {  	[dreg:$0x4] =	wrdreg $0xC0  }
0xac: {  	_ =	task [dreg:s8], $0x5FFFF  }
0xad: {  	[dreg:$0x1] =	wrdreg $0xFFFFFFFF  }
0xae: {  	[dreg:$0x0] =	wrdreg $0x60  }
0xaf: {  	[dreg:$0x2] =	wrdreg s2  }
0xb0: {  	[dreg:$0x3] =	wrdreg s24  }
0xb1: {  	[dreg:$0x4] =	wrdreg s18  }
0xb2: {  	[dreg:$0x5] =	wrdreg $0x9  }
0xb3: {  	_ =	task.clear_ibuf [dreg:s8], $0x6FFFF;
	_ =	strace $0x90000046  }
0xb4: {  	s29 =	simm.s32 $0x9;
	_ =	strace $0x80000048  }
0xb5: {  	_ =	swait.ge [sflag:s29], $0x1  }
0xb6: {  	[sflag:s29] =	ssyncadd.s32 $0xFFFFFFFF  }
0xb7: {  	_ =	strace $0x90000048  }
0xb8: {  	_ =	sfence  }
0xb9: {  	s30 =	sld [smem:$0x0];
	_ =	sdelay $0x2  }
0xba: {  	s31 =	sshll.u32 s1, $0xD;
	s1 =	sshrl.u32 s1, $0x2  }
0xbb: {  	s3 =	sand.u32 $0x4000, s31;
	s1 =	sadd.s32 s1, s30  }
0xbc: {  	s0 =	sor.u32 s3, s0;
	s1 =	sshll.u32 s1, $0x11  }
0xbd: {  	s0 =	sor.u32 s1, s0  }
0xbe: {  	s0 =	sadd.s32 $0x8F2B, s0  }
0xbf: {  	[sflag:s0] =	ssyncadd.remote.s32 $0x1  }
0xc0: {  	_ =	sfence.sel $0xFFFF  }
0xc1: {  	[dreg:$0x0] =	wrdreg $0xFFFFFFFF;
	(pc) =	sbr.abs _section_cstart, $3  }
0xc2: {  	[dreg:$0x1] =	wrdreg $0xFFFFFFFF  }
0xc3: {  	_ =	task.clear_ibuf [dreg:s8], $0x2FFFF;
	_ =	strace $0x9FFFFFFF  }
0xc4: {  	(tm) =	ssettm $0x7FFFFFFF  }
0xc5: {  	_ =	shalt  }
tec
execute0_lowered:
.L_overlay_start_1:
0x0: {  	(tag) =	ssettag $0x1  }
0x1: {  	s1 =	rddreg [dreg:$0x0]  }
0x2: {  	s2 =	srdreg.scid;
	s0 =	stileid.u32  }
0x3: {  	s4 =	rddreg [dreg:$0x1];
	s29 =	sand.u32 $0x1, s2;
	s31 =	sshll.u32 s0, $0x1  }
0x4: {  	s15 =	rddreg [dreg:$0x2];
	s14 =	sor.u32 s29, s31  }
0x5: {  	s3 =	simm.s32 $0x0;
	s2 =	rddreg [dreg:$0x3];
	s5 =	sshll.u32 s14, $0x8  }
0x6: {  	[smem:$0x7FF] =	sst s3;
	s4 =	sadd.s32 s5, s4  }
0x7: {  	_ =	strace $0x80000047;
	s5 =	sadd.s32 $0x400, s4;
	s4 =	simm.s32 $0x3  }
0x8: {  	[tilespmem:s3], [sflag:$0x3] =	stream.linear.gather [hbm4b:s5+s3], $0x500, $0x38;
	[tilespmem:$0x8800] =	vst v63  }
0x9: {  	_ =	swait.ge [sflag:s4], $0x500  }
0xa: {  	[sflag:s4] =	ssyncset.done $0x0  }
0xb: {  	s6 =	simm.s32 $0x80;
	s7 =	simm.s32 $0x800;
	[sflag:s4] =	ssyncadd.s32 $0xFFFFFB00  }
0xc: {  	[tilespmem:s7], [sflag:$0x1] =	stream.indirect.gather [hbm4b:s1+s6], $0x80, s3, s6, $0xb8;
	[tilespmem:$0x8800] =	vst v63  }
0xd: {  	s8 =	simm.s32 $0x4800;
	s9 =	simm.s32 $0x1  }
0xe: {  	[tilespmem:s8], [sflag:$0x2] =	stream.indirect.gather [hbm4b:s1+s6], $0x80, s6, s6, $0xb8;
	[tilespmem:$0x8800] =	vst v63  }
0xf: {  	s10 =	smul.u32 $0x5000, s14;
	_ =	swait.ge [sflag:s9], $0x4000  }
0x10: {  	[sflag:s9] =	ssyncset.done $0x0  }
0x11: {  	s10 =	sadd.s32 s15, s10;
	[sflag:s9] =	ssyncadd.s32 $0xFFFFC000  }
0x12: {  	[hbm4b:s10+s3] =	stream.linear.scatter [tilespmem:s7], [sflag:$0x3], $0x4000, $0x38;
	[tilespmem:$0x8800] =	vst v63  }
0x13: {  	_ =	swait.ge [sflag:s4], $0x4000  }
0x14: {  	[sflag:s4] =	ssyncset.done $0x0  }
0x15: {  	s11 =	simm.s32 $0x100;
	s12 =	simm.s32 $0x2;
	[sflag:s4] =	ssyncadd.s32 $0xFFFFC000  }
0x16: {  	[tilespmem:s7], [sflag:$0x1] =	stream.indirect.gather [hbm4b:s1+s6], $0x80, s11, s6, $0xb8;
	[tilespmem:$0x8800] =	vst v63  }
0x17: {  	_ =	swait.ge [sflag:s12], $0x4000  }
0x18: {  	[sflag:s12] =	ssyncset.done $0x0  }
0x19: {  	s13 =	sadd.s32 $0x800, s10;
	[sflag:s12] =	ssyncadd.s32 $0xFFFFC000  }
0x1a: {  	[hbm4b:s13+s3] =	stream.linear.scatter [tilespmem:s8], [sflag:$0x3], $0x4000, $0x38;
	[tilespmem:$0x8800] =	vst v63  }
0x1b: {  	_ =	swait.ge [sflag:s4], $0x4000  }
0x1c: {  	[sflag:s4] =	ssyncset.done $0x0  }
0x1d: {  	s16 =	smul.u32 $0x28000, s14;
	s14 =	simm.s32 $0x180;
	[sflag:s4] =	ssyncadd.s32 $0xFFFFC000  }
0x1e: {  	[tilespmem:s8], [sflag:$0x2] =	stream.indirect.gather [hbm4b:s1+s6], $0x80, s14, s6, $0xb8;
	[tilespmem:$0x8800] =	vst v63  }
0x1f: {  	s16 =	sshrl.u32 s16, $0x3;
	_ =	swait.ge [sflag:s9], $0x4000  }
0x20: {  	s30 =	sadd.s32 s15, s16;
	[sflag:s9] =	ssyncset.done $0x0  }
0x21: {  	s15 =	sadd.s32 $0x1000, s30;
	[sflag:s9] =	ssyncadd.s32 $0xFFFFC000  }
0x22: {  	[hbm4b:s15+s3] =	stream.linear.scatter [tilespmem:s7], [sflag:$0x3], $0x4000, $0x38;
	[tilespmem:$0x8800] =	vst v63  }
0x23: {  	_ =	swait.ge [sflag:s4], $0x4000  }
0x24: {  	[sflag:s4] =	ssyncset.done $0x0  }
0x25: {  	s16 =	simm.s32 $0x200;
	[sflag:s4] =	ssyncadd.s32 $0xFFFFC000  }
0x26: {  	[tilespmem:s7], [sflag:$0x1] =	stream.indirect.gather [hbm4b:s1+s6], $0x80, s16, s6, $0xb8;
	[tilespmem:$0x8800] =	vst v63  }
0x27: {  	_ =	swait.ge [sflag:s12], $0x4000  }
0x28: {  	[sflag:s12] =	ssyncset.done $0x0  }
0x29: {  	s17 =	sadd.s32 $0x1800, s30;
	[sflag:s12] =	ssyncadd.s32 $0xFFFFC000  }
0x2a: {  	[hbm4b:s17+s3] =	stream.linear.scatter [tilespmem:s8], [sflag:$0x3], $0x4000, $0x38;
	[tilespmem:$0x8800] =	vst v63  }
0x2b: {  	_ =	swait.ge [sflag:s4], $0x4000  }
0x2c: {  	[sflag:s4] =	ssyncset.done $0x0  }
0x2d: {  	s18 =	simm.s32 $0x280;
	[sflag:s4] =	ssyncadd.s32 $0xFFFFC000  }
0x2e: {  	[tilespmem:s8], [sflag:$0x2] =	stream.indirect.gather [hbm4b:s1+s6], $0x80, s18, s6, $0xb8;
	[tilespmem:$0x8800] =	vst v63  }
0x2f: {  	_ =	swait.ge [sflag:s9], $0x4000  }
0x30: {  	[sflag:s9] =	ssyncset.done $0x0  }
0x31: {  	s19 =	sadd.s32 $0x2000, s30;
	[sflag:s9] =	ssyncadd.s32 $0xFFFFC000  }
0x32: {  	[hbm4b:s19+s3] =	stream.linear.scatter [tilespmem:s7], [sflag:$0x3], $0x4000, $0x38;
	[tilespmem:$0x8800] =	vst v63  }
0x33: {  	_ =	swait.ge [sflag:s4], $0x4000  }
0x34: {  	[sflag:s4] =	ssyncset.done $0x0  }
0x35: {  	s20 =	simm.s32 $0x300;
	[sflag:s4] =	ssyncadd.s32 $0xFFFFC000  }
0x36: {  	[tilespmem:s7], [sflag:$0x1] =	stream.indirect.gather [hbm4b:s1+s6], $0x80, s20, s6, $0xb8;
	[tilespmem:$0x8800] =	vst v63  }
0x37: {  	_ =	swait.ge [sflag:s12], $0x4000  }
0x38: {  	[sflag:s12] =	ssyncset.done $0x0  }
0x39: {  	s21 =	sadd.s32 $0x2800, s30;
	[sflag:s12] =	ssyncadd.s32 $0xFFFFC000  }
0x3a: {  	[hbm4b:s21+s3] =	stream.linear.scatter [tilespmem:s8], [sflag:$0x3], $0x4000, $0x38;
	[tilespmem:$0x8800] =	vst v63  }
0x3b: {  	_ =	swait.ge [sflag:s4], $0x4000  }
0x3c: {  	[sflag:s4] =	ssyncset.done $0x0  }
0x3d: {  	s22 =	simm.s32 $0x380;
	[sflag:s4] =	ssyncadd.s32 $0xFFFFC000  }
0x3e: {  	[tilespmem:s8], [sflag:$0x2] =	stream.indirect.gather [hbm4b:s1+s6], $0x80, s22, s6, $0xb8;
	[tilespmem:$0x8800] =	vst v63  }
0x3f: {  	_ =	swait.ge [sflag:s9], $0x4000  }
0x40: {  	[sflag:s9] =	ssyncset.done $0x0  }
0x41: {  	s23 =	sadd.s32 $0x3000, s30;
	[sflag:s9] =	ssyncadd.s32 $0xFFFFC000  }
0x42: {  	[hbm4b:s23+s3] =	stream.linear.scatter [tilespmem:s7], [sflag:$0x3], $0x4000, $0x38;
	[tilespmem:$0x8800] =	vst v63  }
0x43: {  	_ =	swait.ge [sflag:s4], $0x4000  }
0x44: {  	[sflag:s4] =	ssyncset.done $0x0  }
0x45: {  	s24 =	simm.s32 $0x400;
	[sflag:s4] =	ssyncadd.s32 $0xFFFFC000  }
0x46: {  	[tilespmem:s7], [sflag:$0x1] =	stream.indirect.gather [hbm4b:s1+s6], $0x80, s24, s6, $0xb8;
	[tilespmem:$0x8800] =	vst v63  }
0x47: {  	_ =	swait.ge [sflag:s12], $0x4000  }
0x48: {  	[sflag:s12] =	ssyncset.done $0x0  }
0x49: {  	s25 =	sadd.s32 $0x3800, s30;
	[sflag:s12] =	ssyncadd.s32 $0xFFFFC000  }
0x4a: {  	[hbm4b:s25+s3] =	stream.linear.scatter [tilespmem:s8], [sflag:$0x3], $0x4000, $0x38;
	[tilespmem:$0x8800] =	vst v63  }
0x4b: {  	_ =	swait.ge [sflag:s4], $0x4000  }
0x4c: {  	[sflag:s4] =	ssyncset.done $0x0  }
0x4d: {  	s26 =	simm.s32 $0x480;
	[sflag:s4] =	ssyncadd.s32 $0xFFFFC000  }
0x4e: {  	[tilespmem:s8], [sflag:$0x2] =	stream.indirect.gather [hbm4b:s1+s6], $0x80, s26, s6, $0xb8;
	[tilespmem:$0x8800] =	vst v63  }
0x4f: {  	_ =	swait.ge [sflag:s9], $0x4000  }
0x50: {  	[sflag:s9] =	ssyncset.done $0x0  }
0x51: {  	s29 =	ssub.s32 $0x2, s29;
	s28 =	sadd.s32 $0x4000, s30;
	[sflag:s9] =	ssyncadd.s32 $0xFFFFC000  }
0x52: {  	[hbm4b:s28+s3] =	stream.linear.scatter [tilespmem:s7], [sflag:$0x3], $0x4000, $0x38;
	[tilespmem:$0x8800] =	vst v63  }
0x53: {  	s31 =	sshrl.u32 s29, $0x1;
	_ =	swait.ge [sflag:s4], $0x4000  }
0x54: {  	s31 =	ssub.s32 s29, s31;
	[sflag:s4] =	ssyncset.done $0x0  }
0x55: {  	s29 =	sadd.s32 $0x4800, s30;
	s30 =	smax.u32 s31, $0x1;
	[sflag:s4] =	ssyncadd.s32 $0xFFFFC000  }
0x56: {  	p0 =	sne.s32 s30, $0x1;
	_ =	swait.ge [sflag:s12], $0x4000  }
.Ltmp0:
0x57: {  	[sflag:s12] =	ssyncset.done $0x0;
	(pc) =	sbr.rel @!p0 .LBB2_2-.Ltmp0, $4  }
0x58: {  	[sflag:s12] =	ssyncadd.s32 $0xFFFFC000  }
0x59: {  	[hbm4b:s29+s3] =	stream.linear.scatter [tilespmem:s8], [sflag:$0x3], $0x4000, $0x38;
	[tilespmem:$0x8800] =	vst v63  }
0x5a: {  	_ =	swait.ge [sflag:s4], $0x4000  }
0x5b: {  	s30 =	sadd.s32 $0xFFFFFFFF, s30;
	[sflag:s4] =	ssyncset.done $0x0  }
.LBB2_1:
0x5c: {  	p0 =	sne.s32 s30, $0x1;
	s30 =	sadd.s32 $0xFFFFFFFF, s30;
	[sflag:s4] =	ssyncadd.s32 $0xFFFFC000  }
0x5d: {  	[tilespmem:s3], [sflag:$0x3] =	stream.linear.gather [hbm4b:s5+s3], $0x500, $0x38;
	[tilespmem:$0x8800] =	vst v63  }
0x5e: {  	_ =	swait.ge [sflag:s4], $0x500  }
0x5f: {  	[sflag:s4] =	ssyncset.done $0x0  }
0x60: {  	[sflag:s4] =	ssyncadd.s32 $0xFFFFFB00  }
0x61: {  	[tilespmem:s7], [sflag:$0x1] =	stream.indirect.gather [hbm4b:s1+s6], $0x80, s3, s6, $0xb8;
	[tilespmem:$0x8800] =	vst v63  }
0x62: {  	_ = 	snop  }
0x63: {  	[tilespmem:s8], [sflag:$0x2] =	stream.indirect.gather [hbm4b:s1+s6], $0x80, s6, s6, $0xb8;
	[tilespmem:$0x8800] =	vst v63  }
0x64: {  	_ =	swait.ge [sflag:s9], $0x4000  }
0x65: {  	[sflag:s9] =	ssyncset.done $0x0  }
0x66: {  	[sflag:s9] =	ssyncadd.s32 $0xFFFFC000  }
0x67: {  	[hbm4b:s10+s3] =	stream.linear.scatter [tilespmem:s7], [sflag:$0x3], $0x4000, $0x38;
	[tilespmem:$0x8800] =	vst v63  }
0x68: {  	_ =	swait.ge [sflag:s4], $0x4000  }
0x69: {  	[sflag:s4] =	ssyncset.done $0x0  }
0x6a: {  	[sflag:s4] =	ssyncadd.s32 $0xFFFFC000  }
0x6b: {  	[tilespmem:s7], [sflag:$0x1] =	stream.indirect.gather [hbm4b:s1+s6], $0x80, s11, s6, $0xb8;
	[tilespmem:$0x8800] =	vst v63  }
0x6c: {  	_ =	swait.ge [sflag:s12], $0x4000  }
0x6d: {  	[sflag:s12] =	ssyncset.done $0x0  }
0x6e: {  	[sflag:s12] =	ssyncadd.s32 $0xFFFFC000  }
0x6f: {  	[hbm4b:s13+s3] =	stream.linear.scatter [tilespmem:s8], [sflag:$0x3], $0x4000, $0x38;
	[tilespmem:$0x8800] =	vst v63  }
0x70: {  	_ =	swait.ge [sflag:s4], $0x4000  }
0x71: {  	[sflag:s4] =	ssyncset.done $0x0  }
0x72: {  	[sflag:s4] =	ssyncadd.s32 $0xFFFFC000  }
0x73: {  	[tilespmem:s8], [sflag:$0x2] =	stream.indirect.gather [hbm4b:s1+s6], $0x80, s14, s6, $0xb8;
	[tilespmem:$0x8800] =	vst v63  }
0x74: {  	_ =	swait.ge [sflag:s9], $0x4000  }
0x75: {  	[sflag:s9] =	ssyncset.done $0x0  }
0x76: {  	[sflag:s9] =	ssyncadd.s32 $0xFFFFC000  }
0x77: {  	[hbm4b:s15+s3] =	stream.linear.scatter [tilespmem:s7], [sflag:$0x3], $0x4000, $0x38;
	[tilespmem:$0x8800] =	vst v63  }
0x78: {  	_ =	swait.ge [sflag:s4], $0x4000  }
0x79: {  	[sflag:s4] =	ssyncset.done $0x0  }
0x7a: {  	[sflag:s4] =	ssyncadd.s32 $0xFFFFC000  }
0x7b: {  	[tilespmem:s7], [sflag:$0x1] =	stream.indirect.gather [hbm4b:s1+s6], $0x80, s16, s6, $0xb8;
	[tilespmem:$0x8800] =	vst v63  }
0x7c: {  	_ =	swait.ge [sflag:s12], $0x4000  }
0x7d: {  	[sflag:s12] =	ssyncset.done $0x0  }
0x7e: {  	[sflag:s12] =	ssyncadd.s32 $0xFFFFC000  }
0x7f: {  	[hbm4b:s17+s3] =	stream.linear.scatter [tilespmem:s8], [sflag:$0x3], $0x4000, $0x38;
	[tilespmem:$0x8800] =	vst v63  }
0x80: {  	_ =	swait.ge [sflag:s4], $0x4000  }
0x81: {  	[sflag:s4] =	ssyncset.done $0x0  }
0x82: {  	[sflag:s4] =	ssyncadd.s32 $0xFFFFC000  }
0x83: {  	[tilespmem:s8], [sflag:$0x2] =	stream.indirect.gather [hbm4b:s1+s6], $0x80, s18, s6, $0xb8;
	[tilespmem:$0x8800] =	vst v63  }
0x84: {  	_ =	swait.ge [sflag:s9], $0x4000  }
0x85: {  	[sflag:s9] =	ssyncset.done $0x0  }
0x86: {  	[sflag:s9] =	ssyncadd.s32 $0xFFFFC000  }
0x87: {  	[hbm4b:s19+s3] =	stream.linear.scatter [tilespmem:s7], [sflag:$0x3], $0x4000, $0x38;
	[tilespmem:$0x8800] =	vst v63  }
0x88: {  	_ =	swait.ge [sflag:s4], $0x4000  }
0x89: {  	[sflag:s4] =	ssyncset.done $0x0  }
0x8a: {  	[sflag:s4] =	ssyncadd.s32 $0xFFFFC000  }
0x8b: {  	[tilespmem:s7], [sflag:$0x1] =	stream.indirect.gather [hbm4b:s1+s6], $0x80, s20, s6, $0xb8;
	[tilespmem:$0x8800] =	vst v63  }
0x8c: {  	_ =	swait.ge [sflag:s12], $0x4000  }
0x8d: {  	[sflag:s12] =	ssyncset.done $0x0  }
0x8e: {  	[sflag:s12] =	ssyncadd.s32 $0xFFFFC000  }
0x8f: {  	[hbm4b:s21+s3] =	stream.linear.scatter [tilespmem:s8], [sflag:$0x3], $0x4000, $0x38;
	[tilespmem:$0x8800] =	vst v63  }
0x90: {  	_ =	swait.ge [sflag:s4], $0x4000  }
0x91: {  	[sflag:s4] =	ssyncset.done $0x0  }
0x92: {  	[sflag:s4] =	ssyncadd.s32 $0xFFFFC000  }
0x93: {  	[tilespmem:s8], [sflag:$0x2] =	stream.indirect.gather [hbm4b:s1+s6], $0x80, s22, s6, $0xb8;
	[tilespmem:$0x8800] =	vst v63  }
0x94: {  	_ =	swait.ge [sflag:s9], $0x4000  }
0x95: {  	[sflag:s9] =	ssyncset.done $0x0  }
0x96: {  	[sflag:s9] =	ssyncadd.s32 $0xFFFFC000  }
0x97: {  	[hbm4b:s23+s3] =	stream.linear.scatter [tilespmem:s7], [sflag:$0x3], $0x4000, $0x38;
	[tilespmem:$0x8800] =	vst v63  }
0x98: {  	_ =	swait.ge [sflag:s4], $0x4000  }
0x99: {  	[sflag:s4] =	ssyncset.done $0x0  }
0x9a: {  	[sflag:s4] =	ssyncadd.s32 $0xFFFFC000  }
0x9b: {  	[tilespmem:s7], [sflag:$0x1] =	stream.indirect.gather [hbm4b:s1+s6], $0x80, s24, s6, $0xb8;
	[tilespmem:$0x8800] =	vst v63  }
0x9c: {  	_ =	swait.ge [sflag:s12], $0x4000  }
0x9d: {  	[sflag:s12] =	ssyncset.done $0x0  }
0x9e: {  	[sflag:s12] =	ssyncadd.s32 $0xFFFFC000  }
0x9f: {  	[hbm4b:s25+s3] =	stream.linear.scatter [tilespmem:s8], [sflag:$0x3], $0x4000, $0x38;
	[tilespmem:$0x8800] =	vst v63  }
0xa0: {  	_ =	swait.ge [sflag:s4], $0x4000  }
0xa1: {  	[sflag:s4] =	ssyncset.done $0x0  }
0xa2: {  	[sflag:s4] =	ssyncadd.s32 $0xFFFFC000  }
0xa3: {  	[tilespmem:s8], [sflag:$0x2] =	stream.indirect.gather [hbm4b:s1+s6], $0x80, s26, s6, $0xb8;
	[tilespmem:$0x8800] =	vst v63  }
0xa4: {  	_ =	swait.ge [sflag:s9], $0x4000  }
0xa5: {  	[sflag:s9] =	ssyncset.done $0x0  }
0xa6: {  	[sflag:s9] =	ssyncadd.s32 $0xFFFFC000  }
0xa7: {  	[hbm4b:s28+s3] =	stream.linear.scatter [tilespmem:s7], [sflag:$0x3], $0x4000, $0x38;
	[tilespmem:$0x8800] =	vst v63  }
0xa8: {  	_ =	swait.ge [sflag:s4], $0x4000  }
0xa9: {  	[sflag:s4] =	ssyncset.done $0x0  }
0xaa: {  	[sflag:s4] =	ssyncadd.s32 $0xFFFFC000  }
0xab: {  	_ =	swait.ge [sflag:s12], $0x4000  }
.Ltmp1:
0xac: {  	[sflag:s12] =	ssyncset.done $0x0;
	(pc) =	sbr.rel @p0 .LBB2_1-.Ltmp1, $4  }
0xad: {  	[sflag:s12] =	ssyncadd.s32 $0xFFFFC000  }
0xae: {  	[hbm4b:s29+s3] =	stream.linear.scatter [tilespmem:s8], [sflag:$0x3], $0x4000, $0x38;
	[tilespmem:$0x8800] =	vst v63  }
0xaf: {  	_ =	swait.ge [sflag:s4], $0x4000  }
0xb0: {  	[sflag:s4] =	ssyncset.done $0x0  }
.LBB2_2:
0xb1: {  	[sflag:s4] =	ssyncadd.s32 $0xFFFFC000  }
0xb2: {  	_ =	sfence.sel $0x180000  }
0xb3: {  	[bflag:$0x0] =	sbarrier.arrive $0xFFFF  }
0xb4: {  	p0 =	sne.s32 s0, $0x0;
	_ =	strace $0x90000047  }
0xb5: {  	s0 =	sadd.s32 @!p0 $0x100000, s2;
	[bflag:$0x2] =	sbarrier.arrive $0xFFFF  }
0xb6: {  	[sflag:s0] =	ssyncadd.tile.s32 @!p0 $0x1;
	_ =	shalt  }
.Lfunc_end2:
_tile_overlayer_lowered:
.L_overlay_start_2:
0xb7: {  	(tag) =	ssettag $0x2  }
0xb8: {  	s0 =	rddreg [dreg:$0x0];
	s2 =	stileid.u32  }
0xb9: {  	s1 =	rddreg [dreg:$0x1];
	p0 =	sne.s32 s2, $0x0  }
0xba: {  	s3 =	rddreg [dreg:$0x2];
	[bflag:$0x3] =	sbarrier.arrive $0xFFFF;
	s2 =	simm.s32 @!p0 $0x1C03  }
0xbb: {  	[timem:s3], [sflag:s2] =	dma.local @!p0 [hbm:s0], s1  }
0xbc: {  	s0 =	simm.s32 @!p0 $0x3  }
0xbd: {  	_ =	swait.ge @!p0 [sflag:s0], s1  }
0xbe: {  	s1 =	ssub.s32 @!p0 $0x0, s1;
	[sflag:s0] =	ssyncset.done @!p0 $0x0  }
0xbf: {  	[sflag:s0] =	ssyncadd.s32 @!p0 s1  }
0xc0: {  	[bflag:$0x3] =	sbarrier.arrive $0xFFFF  }
0xc1: {  	_ =	shalt  }

</sc_bundles>
